<compile_context>
chip_gen: v7x
topology: tpu7x:2x2x1
jax: 0.10.2.dev20260603
libtpu: 0.0.44.dev20260713+nightly
codegen_flags: <defaults>
</compile_context>

<pallas_src>
import jax
import jax.numpy as jnp
from jax import lax
from jax.experimental import pallas as pl
from jax.experimental.pallas import tpu as pltpu
from jax.experimental.pallas import tpu_sc as plsc

RADIUS2 = 0.2 * 0.2
NSAMPLE = 32
L = 16

B, S, N, C = 4, 1024, 8192, 128
NWORK = 32
QBLKS = NWORK // B
QPB = S // QBLKS
PADW = NSAMPLE + L
OUTB = QPB * NSAMPLE
CPP = 4
NPASS = C // CPP
W16 = N // 16
GQ = 16
NGRP = QPB // GQ
SBLK = 256



def _tc_body(xyzt_ref, nq_ref, w_ref):
    pi = lax.broadcasted_iota(jnp.int32, (128, 8), 0)
    oi = lax.broadcasted_iota(jnp.int32, (128, 8), 1)
    wp = jnp.where(pi // 16 == oi, (1 << (pi % 16)), 0).astype(jnp.float32)
    q = nq_ref[0]
    parts = []
    for c in range(N // 128):
        p = xyzt_ref[0, :, c * 128:(c + 1) * 128]
        d2 = None
        for d in range(3):
            dd = q[:, d:d + 1] - p[d][None, :]
            dd = dd * dd
            d2 = dd if d2 is None else d2 + dd
        m = (d2 < RADIUS2).astype(jnp.float32)
        parts.append(jnp.dot(m, wp, preferred_element_type=jnp.float32))
    w_ref[0] = jnp.concatenate(parts, axis=1).astype(jnp.int32)


def _tc_pack(xyz_t, new_xyz):
    return pl.pallas_call(
        _tc_body,
        grid=(B, S // SBLK),
        in_specs=[
            pl.BlockSpec((1, 3, N), lambda b, s: (b, 0, 0)),
            pl.BlockSpec((1, SBLK, 3), lambda b, s: (b, s, 0)),
        ],
        out_specs=pl.BlockSpec((1, SBLK, W16), lambda b, s: (b, s, 0)),
        out_shape=jax.ShapeDtypeStruct((B, S, W16), jnp.int32),
    )(xyz_t, new_xyz)



def _sc_body(words, new_xyz, xyz_t, feat, out,
             nq, idxall, nzid, nzval, wbuf0, wbuf1,
             chbuf0, chbuf1, outbuf0, outbuf1,
             sem_w0, sem_w1, sem_in0, sem_in1, sem_out0, sem_out1):
    wid = lax.axis_index("s") * 2 + lax.axis_index("c")
    b = wid // QBLKS
    qblk = wid % QBLKS

    pltpu.sync_copy(
        new_xyz.at[pl.ds((b * S + qblk * QPB) * 3, QPB * 3)], nq)

    pltpu.async_copy(
        xyz_t.at[pl.ds(b * 3 * N, 3 * N)],
        chbuf0.at[pl.ds(0, 3 * N)], sem_in0)
    pltpu.async_copy(feat.at[pl.ds(b * C * N, CPP * N)], chbuf1, sem_in1)

    iota = lax.broadcasted_iota(jnp.int32, (L,), 0)
    zeros = jnp.zeros((L,), jnp.int32)
    ones = jnp.full((L,), 1, jnp.int32)
    cap = jnp.full((L,), NSAMPLE, jnp.int32)

    wgrp_base = (b * S + qblk * QPB) * W16

    def start_w(g, wbuf, sem):
        pltpu.async_copy(
            words.at[pl.ds(wgrp_base + g * GQ * W16, GQ * W16)], wbuf, sem)

    def wait_w(wbuf, sem):
        pltpu.make_async_copy(
            words.at[pl.ds(0, GQ * W16)], wbuf, sem).wait()

    def extract_group(g, wbuf):
        def per_query(sq, _):
            sl = g * GQ + sq
            row = sl * PADW
            row_v = jnp.full((L,), row, jnp.int32)
            idxall[pl.ds(row, L)] = zeros

            def wchunk(wc, carry):
                nwv, nws = carry
                w = wbuf[pl.ds(sq * W16 + wc * L, L)]
                mnz = w != 0
                pos = jnp.minimum(nwv, cap) + plsc.cumsum(
                    mnz.astype(jnp.int32))
                plsc.store_scatter(nzid, [pos - 1], wc * L + iota, mask=mnz)
                plsc.store_scatter(nzval, [pos - 1], w, mask=mnz)
                return (nwv + plsc.all_reduce_population_count(mnz),
                        nws + jnp.sum(mnz.astype(jnp.int32)))

            _, nws = lax.fori_loop(0, W16 // L, wchunk,
                                   (zeros, jnp.int32(0)), unroll=4)

            def word(i, cnt):
                iv = jnp.full((L,), i, jnp.int32)
                t = plsc.load_gather(nzid, [iv])
                w = plsc.load_gather(nzval, [iv])
                m = ((w >> iota) & ones) != 0
                pos = jnp.minimum(cnt, cap) + plsc.cumsum(
                    m.astype(jnp.int32))
                plsc.store_scatter(
                    idxall, [row_v + pos - 1], t * L + iota, mask=m)
                return cnt + plsc.all_reduce_population_count(m)

            cnt = lax.fori_loop(0, jnp.minimum(nws, NSAMPLE), word, zeros)

            cntc = jnp.minimum(cnt, cap)
            first = plsc.load_gather(idxall, [row_v])
            for half in range(2):
                pos = iota + half * L
                v = idxall[pl.ds(row + half * L, L)]
                idxall[pl.ds(row + half * L, L)] = jnp.where(
                    pos < cntc, v, first)
            return 0

        lax.fori_loop(0, GQ, per_query, 0)

    start_w(0, wbuf0, sem_w0)
    start_w(1, wbuf1, sem_w1)

    def grp_pair(gp, _):
        g0 = gp * 2
        wait_w(wbuf0, sem_w0)
        extract_group(g0, wbuf0)
        @pl.when(gp < NGRP // 2 - 1)
        def _():
            start_w(g0 + 2, wbuf0, sem_w0)
        wait_w(wbuf1, sem_w1)
        extract_group(g0 + 1, wbuf1)
        @pl.when(gp < NGRP // 2 - 1)
        def _():
            start_w(g0 + 3, wbuf1, sem_w1)
        return 0

    lax.fori_loop(0, NGRP // 2, grp_pair, 0)

    out_base = (b * (3 + C)) * S * NSAMPLE + qblk * OUTB

    pltpu.make_async_copy(
        xyz_t.at[pl.ds(0, 3 * N)], chbuf0.at[pl.ds(0, 3 * N)],
        sem_in0).wait()

    def per_q_xyz(sl, _):
        for half in range(2):
            iv = idxall[pl.ds(sl * PADW + half * L, L)]
            o = sl * NSAMPLE + half * L
            for c3 in range(3):
                qc = plsc.load_gather(
                    nq, [jnp.full((L,), sl * 3 + c3, jnp.int32)])
                vals = plsc.load_gather(chbuf0, [iv + c3 * N]) - qc
                outbuf0[pl.ds(c3 * OUTB + o, L)] = vals
        return 0

    lax.fori_loop(0, QPB, per_q_xyz, 0)
    for c3 in range(3):
        pltpu.async_copy(
            outbuf0.at[pl.ds(c3 * OUTB, OUTB)],
            out.at[pl.ds(out_base + c3 * S * NSAMPLE, OUTB)],
            sem_out0)

    def start_in(p, chbuf, sem):
        pltpu.async_copy(
            feat.at[pl.ds((b * C + p * CPP) * N, CPP * N)], chbuf, sem)

    def wait_in(chbuf, sem):
        pltpu.make_async_copy(feat.at[pl.ds(0, CPP * N)], chbuf, sem).wait()

    def out_copy(p, c, outbuf, sem):
        ch = 3 + p * CPP + c
        return pltpu.make_async_copy(
            outbuf.at[pl.ds(c * OUTB, OUTB)],
            out.at[pl.ds(out_base + ch * S * NSAMPLE, OUTB)],
            sem)

    def gather_pass(p, chbuf, outbuf):
        def per_q(sl, _):
            for half in range(2):
                iv = idxall[pl.ds(sl * PADW + half * L, L)]
                o = sl * NSAMPLE + half * L
                for c in range(CPP):
                    vals = plsc.load_gather(chbuf, [iv + c * N])
                    outbuf[pl.ds(c * OUTB + o, L)] = vals
            return 0

        lax.fori_loop(0, QPB, per_q, 0)

    def pass_pair(pp, _):
        p0 = pp * 2
        wait_in(chbuf1, sem_in1)
        @pl.when(pp == 0)
        def _():
            for c3 in range(3):
                pltpu.make_async_copy(
                    outbuf0.at[pl.ds(c3 * OUTB, OUTB)],
                    out.at[pl.ds(out_base + c3 * S * NSAMPLE, OUTB)],
                    sem_out0).wait()
        @pl.when(pp > 0)
        def _():
            for c in range(CPP):
                out_copy(p0 - 2, c, outbuf0, sem_out0).wait()
        gather_pass(p0, chbuf1, outbuf0)
        @pl.when(pp < NPASS // 2 - 1)
        def _():
            start_in(p0 + 2, chbuf1, sem_in1)
        for c in range(CPP):
            out_copy(p0, c, outbuf0, sem_out0).start()

        wait_in(chbuf0, sem_in0)
        @pl.when(pp > 0)
        def _():
            for c in range(CPP):
                out_copy(p0 - 1, c, outbuf1, sem_out1).wait()
        gather_pass(p0 + 1, chbuf0, outbuf1)
        @pl.when(pp < NPASS // 2 - 1)
        def _():
            start_in(p0 + 3, chbuf0, sem_in0)
        for c in range(CPP):
            out_copy(p0 + 1, c, outbuf1, sem_out1).start()
        return 0

    pltpu.async_copy(
        feat.at[pl.ds((b * C + CPP) * N, CPP * N)], chbuf0, sem_in0)
    lax.fori_loop(0, NPASS // 2, pass_pair, 0)
    for c in range(CPP):
        out_copy(NPASS - 2, c, outbuf0, sem_out0).wait()
        out_copy(NPASS - 1, c, outbuf1, sem_out1).wait()


@jax.jit
def _run(xyz_tf, new_xyz_f, feat_f, words_f):
    mesh = plsc.VectorSubcoreMesh(core_axis_name="c", subcore_axis_name="s")
    kern = pl.kernel(
        _sc_body,
        out_type=jax.ShapeDtypeStruct((B * (3 + C) * S * NSAMPLE,),
                                      jnp.float32),
        mesh=mesh,
        scratch_types=[
            pltpu.VMEM((QPB * 3,), jnp.float32),
            pltpu.VMEM((QPB * PADW,), jnp.int32),
            pltpu.VMEM((PADW,), jnp.int32),
            pltpu.VMEM((PADW,), jnp.int32),
            pltpu.VMEM((GQ * W16,), jnp.int32),
            pltpu.VMEM((GQ * W16,), jnp.int32),
            pltpu.VMEM((CPP * N,), jnp.float32),
            pltpu.VMEM((CPP * N,), jnp.float32),
            pltpu.VMEM((CPP * OUTB,), jnp.float32),
            pltpu.VMEM((CPP * OUTB,), jnp.float32),
            pltpu.SemaphoreType.DMA,
            pltpu.SemaphoreType.DMA,
            pltpu.SemaphoreType.DMA,
            pltpu.SemaphoreType.DMA,
            pltpu.SemaphoreType.DMA,
            pltpu.SemaphoreType.DMA,
        ],
        compiler_params=pltpu.CompilerParams(needs_layout_passes=False),
    )
    return kern(words_f, new_xyz_f, xyz_tf, feat_f)


def kernel(xyz, new_xyz, features):
    xyz_t = jnp.transpose(xyz, (0, 2, 1)) + jnp.float32(0.0)
    new_xyz_f = new_xyz.reshape(-1) + jnp.float32(0.0)
    words = _tc_pack(xyz_t, new_xyz)
    out = _run(xyz_t.reshape(-1), new_xyz_f,
               features.reshape(-1), words.reshape(-1))
    return out.reshape(B, 3 + C, S, NSAMPLE)

# --- scband reference (transcript-rebuilt; emitter-appended) ---
"""Pipeline reference for scband-query-and-group-23287312679504 (READ-ONLY COPY).

The authoritative reference and input builder live on the scoring server;
editing this copy changes nothing except your own understanding.
"""

import jax, jax.numpy as jnp
import numpy as np

RADIUS = 0.2
NSAMPLE = 32


def ball_query(radius, nsample, xyz, new_xyz):
    # xyz: (B, N, 3), new_xyz: (B, S, 3) -> idx (B, S, nsample) int32
    N = xyz.shape[1]
    dist2 = jnp.sum((new_xyz[:, :, None, :] - xyz[:, None, :, :]) ** 2, axis=-1)  # (B, S, N)
    mask = dist2 < (radius * radius)
    cand = jnp.where(mask, jnp.arange(N, dtype=jnp.int32)[None, None, :], N)
    idx_sorted = jnp.sort(cand, axis=-1)[..., :nsample]  # first nsample in-ball indices
    first = idx_sorted[..., :1]
    idx = jnp.where(idx_sorted == N, first, idx_sorted)  # pad with first in-ball index
    idx = jnp.where(idx == N, 0, idx)  # empty ball -> 0 (matches memset behavior)
    return idx.astype(jnp.int32)


def grouping_operation(features, idx):
    # features: (B, C, N), idx: (B, S, ns) -> (B, C, S, ns)
    return jax.vmap(lambda f, i: f[:, i])(features, idx)


def setup_inputs(seed: int = 0) -> dict:
    key = jax.random.key(seed)
    k1, k2, k3 = jax.random.split(key, 3)
    xyz = jax.random.normal(k1, (4, 8192, 3), dtype=jnp.float32)
    new_xyz = jax.random.normal(k2, (4, 1024, 3), dtype=jnp.float32)
    features = jax.random.normal(k3, (4, 128, 8192), dtype=jnp.float32)
    return {"xyz": xyz, "new_xyz": new_xyz, "features": features}


def reference(xyz, new_xyz, features):
    idx = ball_query(RADIUS, NSAMPLE, xyz, new_xyz)  # (B, S, ns)
    xyz_trans = jnp.transpose(xyz, (0, 2, 1))  # (B, 3, N)
    grouped_xyz = grouping_operation(xyz_trans, idx)  # (B, 3, S, ns)
    grouped_xyz = grouped_xyz - jnp.transpose(new_xyz, (0, 2, 1))[..., None]
    grouped_features = grouping_operation(features, idx)  # (B, C, S, ns)
    new_features = jnp.concatenate([grouped_xyz, grouped_features], axis=1)  # (B, 3+C, S, ns)
    return new_features

if __name__ == "__main__":
    import jax
    _d = setup_inputs()
    print(jax.jit(kernel)(*tuple(_d.values())))

</pallas_src>

<mosaic_0001>
#map = affine_map<(d0, d1) -> (0)>
module attributes {stable_mosaic.version = 14 : i64} {
  func.func @_sc_body(%arg0: i32, %arg1: i32, %arg2: memref<2097152xi32, #tpu.memory_space<hbm>>, %arg3: memref<12288xf32, #tpu.memory_space<hbm>>, %arg4: memref<98304xf32, #tpu.memory_space<hbm>>, %arg5: memref<4194304xf32, #tpu.memory_space<hbm>>, %arg6: memref<17170432xf32, #tpu.memory_space<hbm>>, %arg7: memref<384xf32, #tpu.memory_space<vmem>>, %arg8: memref<6144xi32, #tpu.memory_space<vmem>>, %arg9: memref<48xi32, #tpu.memory_space<vmem>>, %arg10: memref<48xi32, #tpu.memory_space<vmem>>, %arg11: memref<8192xi32, #tpu.memory_space<vmem>>, %arg12: memref<8192xi32, #tpu.memory_space<vmem>>, %arg13: memref<32768xf32, #tpu.memory_space<vmem>>, %arg14: memref<32768xf32, #tpu.memory_space<vmem>>, %arg15: memref<16384xf32, #tpu.memory_space<vmem>>, %arg16: memref<16384xf32, #tpu.memory_space<vmem>>, %arg17: memref<!tpu.dma_semaphore, #tpu.memory_space<semaphore_mem>>, %arg18: memref<!tpu.dma_semaphore, #tpu.memory_space<semaphore_mem>>, %arg19: memref<!tpu.dma_semaphore, #tpu.memory_space<semaphore_mem>>, %arg20: memref<!tpu.dma_semaphore, #tpu.memory_space<semaphore_mem>>, %arg21: memref<!tpu.dma_semaphore, #tpu.memory_space<semaphore_mem>>, %arg22: memref<!tpu.dma_semaphore, #tpu.memory_space<semaphore_mem>>) attributes {dimension_semantics = [#tpu.dimension_semantics<core_parallel>, #tpu.dimension_semantics<subcore_parallel>], iteration_bounds = array<i64: 2, 16>, scalar_prefetch = 0 : i64, scratch_operands = 16 : i64, tpu.core_type = #tpu.core_type<sc_vector_subcore>, window_params = [{transform_indices = #map}, {transform_indices = #map}, {transform_indices = #map}, {transform_indices = #map}, {transform_indices = #map}]} {
    %mul3A = arith.constant 2 : i32
    %mul3A_0 = arith.muli %arg1, %mul3A : i32
    %add3A = arith.addi %mul3A_0, %arg0 : i32
    %jit3A = arith.constant 8 : i32
    %div3A = arith.divsi %add3A, %jit3A : i32
    %sign3A = arith.constant 0 : i32
    %sign3A_1 = arith.cmpi sgt, %add3A, %sign3A : i32
    %sign3A_2 = arith.extui %sign3A_1 : i1 to i32
    %sign3A_3 = arith.constant 0 : i32
    %sign3A_4 = arith.cmpi slt, %add3A, %sign3A_3 : i32
    %sign3A_5 = arith.extui %sign3A_4 : i1 to i32
    %sign3A_6 = arith.subi %sign3A_2, %sign3A_5 : i32
    %sign3A_7 = arith.constant 0 : i32
    %sign3A_8 = arith.cmpi sgt, %jit3A, %sign3A_7 : i32
    %sign3A_9 = arith.extui %sign3A_8 : i1 to i32
    %sign3A_10 = arith.constant 0 : i32
    %sign3A_11 = arith.cmpi slt, %jit3A, %sign3A_10 : i32
    %sign3A_12 = arith.extui %sign3A_11 : i1 to i32
    %sign3A_13 = arith.subi %sign3A_9, %sign3A_12 : i32
    %ne3A = arith.cmpi ne, %sign3A_6, %sign3A_13 : i32
    %rem3A = arith.remsi %add3A, %jit3A : i32
    %ne3A_14 = arith.constant 0 : i32
    %ne3A_15 = arith.cmpi ne, %rem3A, %ne3A_14 : i32
    %and3A = arith.andi %ne3A, %ne3A_15 : i1
    %sub3A = arith.constant 1 : i32
    %sub3A_16 = arith.subi %div3A, %sub3A : i32
    %select_n3A = arith.select %and3A, %sub3A_16, %div3A : i32
    %jit3A_17 = arith.constant 8 : i32
    %eq3A = arith.constant 0 : i32
    %eq3A_18 = arith.cmpi eq, %jit3A_17, %eq3A : i32
    %jit3A_19 = arith.constant 1 : i32
    %select_n3A_20 = arith.select %eq3A_18, %jit3A_19, %jit3A_17 : i32
    %rem3A_21 = arith.remsi %add3A, %select_n3A_20 : i32
    %ne3A_22 = arith.constant 0 : i32
    %ne3A_23 = arith.cmpi ne, %rem3A_21, %ne3A_22 : i32
    %lt3A = arith.constant 0 : i32
    %lt3A_24 = arith.cmpi slt, %rem3A_21, %lt3A : i32
    %lt3A_25 = arith.constant 0 : i32
    %lt3A_26 = arith.cmpi slt, %select_n3A_20, %lt3A_25 : i32
    %ne3A_27 = arith.xori %lt3A_24, %lt3A_26 : i1
    %and3A_28 = arith.andi %ne3A_27, %ne3A_23 : i1
    %add3A_29 = arith.addi %rem3A_21, %select_n3A_20 : i32
    %select_n3A_30 = arith.select %and3A_28, %add3A_29, %rem3A_21 : i32
    %mul3A_31 = arith.constant 1024 : i32
    %mul3A_32 = arith.muli %select_n3A, %mul3A_31 : i32
    %mul3A_33 = arith.constant 128 : i32
    %mul3A_34 = arith.muli %select_n3A_30, %mul3A_33 : i32
    %add3A_35 = arith.addi %mul3A_32, %mul3A_34 : i32
    %mul3A_36 = arith.constant 3 : i32
    %mul3A_37 = arith.muli %add3A_35, %mul3A_36 : i32
    "tpu.region"() ({
      %run_scoped3A = tpu.sem_alloc : memref<!tpu.dma_semaphore, #tpu.memory_space<semaphore_mem>>
      %dma_start3A_205 = tpu.memref_slice %arg3[%mul3A_37] : memref<12288xf32, #tpu.memory_space<hbm>> -> memref<384xf32, #tpu.memory_space<hbm>>
      %dma_start3A_206 = tpu.memref_slice %arg3[%mul3A_37] : memref<12288xf32, #tpu.memory_space<hbm>> -> memref<384xf32, #tpu.memory_space<hbm>>
      tpu.enqueue_dma source(%dma_start3A_206 : memref<384xf32, #tpu.memory_space<hbm>>) target(%arg7 : memref<384xf32, #tpu.memory_space<vmem>>) target_semaphore(%run_scoped3A : memref<!tpu.dma_semaphore, #tpu.memory_space<semaphore_mem>>)
      %dma_wait3A_207 = tpu.memref_slice %arg3[%mul3A_37] : memref<12288xf32, #tpu.memory_space<hbm>> -> memref<384xf32, #tpu.memory_space<hbm>>
      %dma_wait3A_208 = tpu.memref_slice %arg3[%mul3A_37] : memref<12288xf32, #tpu.memory_space<hbm>> -> memref<384xf32, #tpu.memory_space<hbm>>
      tpu.wait_dma2 semaphore(%run_scoped3A : memref<!tpu.dma_semaphore, #tpu.memory_space<semaphore_mem>>) src(%dma_wait3A_208 : memref<384xf32, #tpu.memory_space<hbm>>) dst(%arg7 : memref<384xf32, #tpu.memory_space<vmem>>)
      tpu.yield
    }) : () -> ()
    %mul3A_38 = arith.constant 3 : i32
    %mul3A_39 = arith.muli %select_n3A, %mul3A_38 : i32
    %mul3A_40 = arith.constant 8192 : i32
    %mul3A_41 = arith.muli %mul3A_39, %mul3A_40 : i32
    %dma_start3A = arith.constant 0 : i32
    %dma_start3A_42 = tpu.memref_slice %arg13[%dma_start3A] : memref<32768xf32, #tpu.memory_space<vmem>> -> memref<24576xf32, #tpu.memory_space<vmem>>
    %dma_start3A_43 = tpu.memref_slice %arg4[%mul3A_41] : memref<98304xf32, #tpu.memory_space<hbm>> -> memref<24576xf32, #tpu.memory_space<hbm>>
    %dma_start3A_44 = arith.constant 0 : i32
    %dma_start3A_45 = tpu.memref_slice %arg13[%dma_start3A_44] : memref<32768xf32, #tpu.memory_space<vmem>> -> memref<24576xf32, #tpu.memory_space<vmem>>
    %dma_start3A_46 = tpu.memref_slice %arg4[%mul3A_41] : memref<98304xf32, #tpu.memory_space<hbm>> -> memref<24576xf32, #tpu.memory_space<hbm>>
    tpu.enqueue_dma source(%dma_start3A_46 : memref<24576xf32, #tpu.memory_space<hbm>>) target(%dma_start3A_45 : memref<24576xf32, #tpu.memory_space<vmem>>) target_semaphore(%arg19 : memref<!tpu.dma_semaphore, #tpu.memory_space<semaphore_mem>>)
    %mul3A_47 = arith.constant 128 : i32
    %mul3A_48 = arith.muli %select_n3A, %mul3A_47 : i32
    %mul3A_49 = arith.constant 8192 : i32
    %mul3A_50 = arith.muli %mul3A_48, %mul3A_49 : i32
    %dma_start3A_51 = tpu.memref_slice %arg5[%mul3A_50] : memref<4194304xf32, #tpu.memory_space<hbm>> -> memref<32768xf32, #tpu.memory_space<hbm>>
    %dma_start3A_52 = tpu.memref_slice %arg5[%mul3A_50] : memref<4194304xf32, #tpu.memory_space<hbm>> -> memref<32768xf32, #tpu.memory_space<hbm>>
    tpu.enqueue_dma source(%dma_start3A_52 : memref<32768xf32, #tpu.memory_space<hbm>>) target(%arg14 : memref<32768xf32, #tpu.memory_space<vmem>>) target_semaphore(%arg20 : memref<!tpu.dma_semaphore, #tpu.memory_space<semaphore_mem>>)
    %iota3A = tpu.iota {dimensions = array<i32: 0>} : vector<16xi32>
    %broadcast_in_dim3A = arith.constant 0 : i32
    %broadcast_in_dim3A_53 = vector.broadcast %broadcast_in_dim3A : i32 to vector<16xi32>
    %broadcast_in_dim3A_54 = arith.constant 1 : i32
    %broadcast_in_dim3A_55 = vector.broadcast %broadcast_in_dim3A_54 : i32 to vector<16xi32>
    %broadcast_in_dim3A_56 = arith.constant 32 : i32
    %broadcast_in_dim3A_57 = vector.broadcast %broadcast_in_dim3A_56 : i32 to vector<16xi32>
    %mul3A_58 = arith.constant 1024 : i32
    %mul3A_59 = arith.muli %select_n3A, %mul3A_58 : i32
    %mul3A_60 = arith.constant 128 : i32
    %mul3A_61 = arith.muli %select_n3A_30, %mul3A_60 : i32
    %add3A_62 = arith.addi %mul3A_59, %mul3A_61 : i32
    %mul3A_63 = arith.constant 512 : i32
    %mul3A_64 = arith.muli %add3A_62, %mul3A_63 : i32
    %add3A_65 = arith.constant 0 : i32
    %add3A_66 = arith.addi %mul3A_64, %add3A_65 : i32
    %dma_start3A_67 = tpu.memref_slice %arg2[%add3A_66] : memref<2097152xi32, #tpu.memory_space<hbm>> -> memref<8192xi32, #tpu.memory_space<hbm>>
    %dma_start3A_68 = tpu.memref_slice %arg2[%add3A_66] : memref<2097152xi32, #tpu.memory_space<hbm>> -> memref<8192xi32, #tpu.memory_space<hbm>>
    tpu.enqueue_dma source(%dma_start3A_68 : memref<8192xi32, #tpu.memory_space<hbm>>) target(%arg11 : memref<8192xi32, #tpu.memory_space<vmem>>) target_semaphore(%arg17 : memref<!tpu.dma_semaphore, #tpu.memory_space<semaphore_mem>>)
    %add3A_69 = arith.constant 8192 : i32
    %add3A_70 = arith.addi %mul3A_64, %add3A_69 : i32
    %dma_start3A_71 = tpu.memref_slice %arg2[%add3A_70] : memref<2097152xi32, #tpu.memory_space<hbm>> -> memref<8192xi32, #tpu.memory_space<hbm>>
    %dma_start3A_72 = tpu.memref_slice %arg2[%add3A_70] : memref<2097152xi32, #tpu.memory_space<hbm>> -> memref<8192xi32, #tpu.memory_space<hbm>>
    tpu.enqueue_dma source(%dma_start3A_72 : memref<8192xi32, #tpu.memory_space<hbm>>) target(%arg12 : memref<8192xi32, #tpu.memory_space<vmem>>) target_semaphore(%arg18 : memref<!tpu.dma_semaphore, #tpu.memory_space<semaphore_mem>>)
    %scan3A = arith.constant 0 : i32
    %scan3A_73 = arith.constant 0 : i32
    %scan3A_74 = arith.constant 4 : i32
    %scan3A_75 = arith.addi %scan3A_73, %scan3A_74 : i32
    %scan3A_76 = arith.constant 1 : i32
    %scan3A_77 = scf.for %scan3A_205 = %scan3A_73 to %scan3A_75 step %scan3A_76 iter_args(%scan3A_206 = %scan3A) -> (i32)  : i32 {
      %mul3A_207 = arith.constant 2 : i32
      %mul3A_208 = arith.muli %scan3A_205, %mul3A_207 : i32
      %dma_wait3A_209 = arith.constant 0 : i32
      %dma_wait3A_210 = tpu.memref_slice %arg2[%dma_wait3A_209] : memref<2097152xi32, #tpu.memory_space<hbm>> -> memref<8192xi32, #tpu.memory_space<hbm>>
      %dma_wait3A_211 = arith.constant 0 : i32
      %dma_wait3A_212 = tpu.memref_slice %arg2[%dma_wait3A_211] : memref<2097152xi32, #tpu.memory_space<hbm>> -> memref<8192xi32, #tpu.memory_space<hbm>>
      tpu.wait_dma2 semaphore(%arg17 : memref<!tpu.dma_semaphore, #tpu.memory_space<semaphore_mem>>) src(%dma_wait3A_212 : memref<8192xi32, #tpu.memory_space<hbm>>) dst(%arg11 : memref<8192xi32, #tpu.memory_space<vmem>>)
      %scan3A_213 = arith.constant 0 : i32
      %scan3A_214 = arith.constant 0 : i32
      %scan3A_215 = arith.constant 16 : i32
      %scan3A_216 = arith.addi %scan3A_214, %scan3A_215 : i32
      %scan3A_217 = arith.constant 1 : i32
      %scan3A_218 = scf.for %scan3A_242 = %scan3A_214 to %scan3A_216 step %scan3A_217 iter_args(%scan3A_243 = %scan3A_213) -> (i32)  : i32 {
        %mul3A_244 = arith.constant 16 : i32
        %mul3A_245 = arith.muli %mul3A_208, %mul3A_244 : i32
        %add3A_246 = arith.addi %mul3A_245, %scan3A_242 : i32
        %mul3A_247 = arith.constant 48 : i32
        %mul3A_248 = arith.muli %add3A_246, %mul3A_247 : i32
        %broadcast_in_dim3A_249 = vector.broadcast %mul3A_248 : i32 to vector<16xi32>
        %swap3A = arith.index_cast %mul3A_248 : i32 to index
        %swap3A_250 = tpu.vector_load %arg8[%swap3A] {strides = array<i32>} : memref<6144xi32, #tpu.memory_space<vmem>>, vector<16xi32>,
        tpu.vector_store %arg8[%swap3A], %broadcast_in_dim3A_53 {strides = array<i32>} : memref<6144xi32, #tpu.memory_space<vmem>>, vector<16xi32>,
        %scan3A_251 = arith.constant 0 : i32
        %scan3A_252 = arith.constant 0 : i32
        %scan3A_253 = arith.constant 32 : i32
        %scan3A_254 = arith.addi %scan3A_252, %scan3A_253 : i32
        %scan3A_255 = arith.constant 4 : i32
        %scan3A_256:2 = scf.for %scan3A_296 = %scan3A_252 to %scan3A_254 step %scan3A_255 iter_args(%scan3A_297 = %broadcast_in_dim3A_53, %scan3A_298 = %scan3A_251) -> (vector<16xi32>, i32)  : i32 {
          %mul3A_299 = arith.constant 512 : i32
          %mul3A_300 = arith.muli %scan3A_242, %mul3A_299 : i32
          %mul3A_301 = arith.constant 16 : i32
          %mul3A_302 = arith.muli %scan3A_296, %mul3A_301 : i32
          %add3A_303 = arith.addi %mul3A_300, %mul3A_302 : i32
          %get3A_304 = arith.index_cast %add3A_303 : i32 to index
          %get3A_305 = tpu.vector_load %arg11[%get3A_304] {strides = array<i32>} : memref<8192xi32, #tpu.memory_space<vmem>>, vector<16xi32>,
          %ne3A_306 = arith.constant 0 : i32
          %ne3A_307 = vector.broadcast %ne3A_306 : i32 to vector<16xi32>
          %ne3A_308 = arith.cmpi ne, %get3A_305, %ne3A_307 : vector<16xi32>
          %min3A_309 = arith.minsi %scan3A_297, %broadcast_in_dim3A_57 : vector<16xi32>
          %convert_element_type3A_310 = arith.extui %ne3A_308 : vector<16xi1> to vector<16xi32>
          %broadcast_in_dim3A_311 = arith.constant true
          %broadcast_in_dim3A_312 = vector.broadcast %broadcast_in_dim3A_311 : i1 to vector<16xi1>
          %masked_cumsum3A = tpu.scan <sum>, %convert_element_type3A_310 masked %broadcast_in_dim3A_312 : vector<16xi32>, vector<16xi1> -> vector<16xi32>
          %add3A_313 = arith.addi %min3A_309, %masked_cumsum3A : vector<16xi32>
          %sub3A_314 = arith.constant 1 : i32
          %sub3A_315 = vector.broadcast %sub3A_314 : i32 to vector<16xi32>
          %sub3A_316 = arith.subi %add3A_313, %sub3A_315 : vector<16xi32>
          %mul3A_317 = arith.constant 16 : i32
          %mul3A_318 = arith.muli %scan3A_296, %mul3A_317 : i32
          %add3A_319 = vector.broadcast %mul3A_318 : i32 to vector<16xi32>
          %add3A_320 = arith.addi %add3A_319, %iota3A : vector<16xi32>
          tpu.vector_store_idx %arg9[%sub3A_316], %add3A_320 masked %ne3A_308 : memref<48xi32, #tpu.memory_space<vmem>>[vector<16xi32>], vector<16xi32>, vector<16xi1>
          %sub3A_321 = arith.constant 1 : i32
          %sub3A_322 = vector.broadcast %sub3A_321 : i32 to vector<16xi32>
          %sub3A_323 = arith.subi %add3A_313, %sub3A_322 : vector<16xi32>
          tpu.vector_store_idx %arg10[%sub3A_323], %get3A_305 masked %ne3A_308 : memref<48xi32, #tpu.memory_space<vmem>>[vector<16xi32>], vector<16xi32>, vector<16xi1>
          %all_reduce_population_count3A = tpu.all_reduce %ne3A_308 {dim = 0 : i64, kind = #tpu.reduction_kind<sum>} : vector<16xi1> -> vector<16xi32>
          %add3A_324 = arith.addi %scan3A_297, %all_reduce_population_count3A : vector<16xi32>
          %convert_element_type3A_325 = arith.extui %ne3A_308 : vector<16xi1> to vector<16xi32>
          %reduce_sum3A = arith.constant true
          %reduce_sum3A_326 = vector.broadcast %reduce_sum3A : i1 to vector<16xi1>
          %reduce_sum3A_327 = tpu.scan <sum>, %convert_element_type3A_325 masked %reduce_sum3A_326 : vector<16xi32>, vector<16xi1> -> vector<16xi32>
          %reduce_sum3A_328 = vector.extract %reduce_sum3A_327[15] : i32 from vector<16xi32>
          %add3A_329 = arith.addi %scan3A_298, %reduce_sum3A_328 : i32
          %scan3A_330 = arith.constant 1 : i32
          %scan3A_331 = arith.addi %scan3A_296, %scan3A_330 : i32
          %mul3A_332 = arith.constant 512 : i32
          %mul3A_333 = arith.muli %scan3A_242, %mul3A_332 : i32
          %mul3A_334 = arith.constant 16 : i32
          %mul3A_335 = arith.muli %scan3A_331, %mul3A_334 : i32
          %add3A_336 = arith.addi %mul3A_333, %mul3A_335 : i32
          %get3A_337 = arith.index_cast %add3A_336 : i32 to index
          %get3A_338 = tpu.vector_load %arg11[%get3A_337] {strides = array<i32>} : memref<8192xi32, #tpu.memory_space<vmem>>, vector<16xi32>,
          %ne3A_339 = arith.constant 0 : i32
          %ne3A_340 = vector.broadcast %ne3A_339 : i32 to vector<16xi32>
          %ne3A_341 = arith.cmpi ne, %get3A_338, %ne3A_340 : vector<16xi32>
          %min3A_342 = arith.minsi %add3A_324, %broadcast_in_dim3A_57 : vector<16xi32>
          %convert_element_type3A_343 = arith.extui %ne3A_341 : vector<16xi1> to vector<16xi32>
          %broadcast_in_dim3A_344 = arith.constant true
          %broadcast_in_dim3A_345 = vector.broadcast %broadcast_in_dim3A_344 : i1 to vector<16xi1>
          %masked_cumsum3A_346 = tpu.scan <sum>, %convert_element_type3A_343 masked %broadcast_in_dim3A_345 : vector<16xi32>, vector<16xi1> -> vector<16xi32>
          %add3A_347 = arith.addi %min3A_342, %masked_cumsum3A_346 : vector<16xi32>
          %sub3A_348 = arith.constant 1 : i32
          %sub3A_349 = vector.broadcast %sub3A_348 : i32 to vector<16xi32>
          %sub3A_350 = arith.subi %add3A_347, %sub3A_349 : vector<16xi32>
          %mul3A_351 = arith.constant 16 : i32
          %mul3A_352 = arith.muli %scan3A_331, %mul3A_351 : i32
          %add3A_353 = vector.broadcast %mul3A_352 : i32 to vector<16xi32>
          %add3A_354 = arith.addi %add3A_353, %iota3A : vector<16xi32>
          tpu.vector_store_idx %arg9[%sub3A_350], %add3A_354 masked %ne3A_341 : memref<48xi32, #tpu.memory_space<vmem>>[vector<16xi32>], vector<16xi32>, vector<16xi1>
          %sub3A_355 = arith.constant 1 : i32
          %sub3A_356 = vector.broadcast %sub3A_355 : i32 to vector<16xi32>
          %sub3A_357 = arith.subi %add3A_347, %sub3A_356 : vector<16xi32>
          tpu.vector_store_idx %arg10[%sub3A_357], %get3A_338 masked %ne3A_341 : memref<48xi32, #tpu.memory_space<vmem>>[vector<16xi32>], vector<16xi32>, vector<16xi1>
          %all_reduce_population_count3A_358 = tpu.all_reduce %ne3A_341 {dim = 0 : i64, kind = #tpu.reduction_kind<sum>} : vector<16xi1> -> vector<16xi32>
          %add3A_359 = arith.addi %add3A_324, %all_reduce_population_count3A_358 : vector<16xi32>
          %convert_element_type3A_360 = arith.extui %ne3A_341 : vector<16xi1> to vector<16xi32>
          %reduce_sum3A_361 = arith.constant true
          %reduce_sum3A_362 = vector.broadcast %reduce_sum3A_361 : i1 to vector<16xi1>
          %reduce_sum3A_363 = tpu.scan <sum>, %convert_element_type3A_360 masked %reduce_sum3A_362 : vector<16xi32>, vector<16xi1> -> vector<16xi32>
          %reduce_sum3A_364 = vector.extract %reduce_sum3A_363[15] : i32 from vector<16xi32>
          %add3A_365 = arith.addi %add3A_329, %reduce_sum3A_364 : i32
          %scan3A_366 = arith.constant 2 : i32
          %scan3A_367 = arith.addi %scan3A_296, %scan3A_366 : i32
          %mul3A_368 = arith.constant 512 : i32
          %mul3A_369 = arith.muli %scan3A_242, %mul3A_368 : i32
          %mul3A_370 = arith.constant 16 : i32
          %mul3A_371 = arith.muli %scan3A_367, %mul3A_370 : i32
          %add3A_372 = arith.addi %mul3A_369, %mul3A_371 : i32
          %get3A_373 = arith.index_cast %add3A_372 : i32 to index
          %get3A_374 = tpu.vector_load %arg11[%get3A_373] {strides = array<i32>} : memref<8192xi32, #tpu.memory_space<vmem>>, vector<16xi32>,
          %ne3A_375 = arith.constant 0 : i32
          %ne3A_376 = vector.broadcast %ne3A_375 : i32 to vector<16xi32>
          %ne3A_377 = arith.cmpi ne, %get3A_374, %ne3A_376 : vector<16xi32>
          %min3A_378 = arith.minsi %add3A_359, %broadcast_in_dim3A_57 : vector<16xi32>
          %convert_element_type3A_379 = arith.extui %ne3A_377 : vector<16xi1> to vector<16xi32>
          %broadcast_in_dim3A_380 = arith.constant true
          %broadcast_in_dim3A_381 = vector.broadcast %broadcast_in_dim3A_380 : i1 to vector<16xi1>
          %masked_cumsum3A_382 = tpu.scan <sum>, %convert_element_type3A_379 masked %broadcast_in_dim3A_381 : vector<16xi32>, vector<16xi1> -> vector<16xi32>
          %add3A_383 = arith.addi %min3A_378, %masked_cumsum3A_382 : vector<16xi32>
          %sub3A_384 = arith.constant 1 : i32
          %sub3A_385 = vector.broadcast %sub3A_384 : i32 to vector<16xi32>
          %sub3A_386 = arith.subi %add3A_383, %sub3A_385 : vector<16xi32>
          %mul3A_387 = arith.constant 16 : i32
          %mul3A_388 = arith.muli %scan3A_367, %mul3A_387 : i32
          %add3A_389 = vector.broadcast %mul3A_388 : i32 to vector<16xi32>
          %add3A_390 = arith.addi %add3A_389, %iota3A : vector<16xi32>
          tpu.vector_store_idx %arg9[%sub3A_386], %add3A_390 masked %ne3A_377 : memref<48xi32, #tpu.memory_space<vmem>>[vector<16xi32>], vector<16xi32>, vector<16xi1>
          %sub3A_391 = arith.constant 1 : i32
          %sub3A_392 = vector.broadcast %sub3A_391 : i32 to vector<16xi32>
          %sub3A_393 = arith.subi %add3A_383, %sub3A_392 : vector<16xi32>
          tpu.vector_store_idx %arg10[%sub3A_393], %get3A_374 masked %ne3A_377 : memref<48xi32, #tpu.memory_space<vmem>>[vector<16xi32>], vector<16xi32>, vector<16xi1>
          %all_reduce_population_count3A_394 = tpu.all_reduce %ne3A_377 {dim = 0 : i64, kind = #tpu.reduction_kind<sum>} : vector<16xi1> -> vector<16xi32>
          %add3A_395 = arith.addi %add3A_359, %all_reduce_population_count3A_394 : vector<16xi32>
          %convert_element_type3A_396 = arith.extui %ne3A_377 : vector<16xi1> to vector<16xi32>
          %reduce_sum3A_397 = arith.constant true
          %reduce_sum3A_398 = vector.broadcast %reduce_sum3A_397 : i1 to vector<16xi1>
          %reduce_sum3A_399 = tpu.scan <sum>, %convert_element_type3A_396 masked %reduce_sum3A_398 : vector<16xi32>, vector<16xi1> -> vector<16xi32>
          %reduce_sum3A_400 = vector.extract %reduce_sum3A_399[15] : i32 from vector<16xi32>
          %add3A_401 = arith.addi %add3A_365, %reduce_sum3A_400 : i32
          %scan3A_402 = arith.constant 3 : i32
          %scan3A_403 = arith.addi %scan3A_296, %scan3A_402 : i32
          %mul3A_404 = arith.constant 512 : i32
          %mul3A_405 = arith.muli %scan3A_242, %mul3A_404 : i32
          %mul3A_406 = arith.constant 16 : i32
          %mul3A_407 = arith.muli %scan3A_403, %mul3A_406 : i32
          %add3A_408 = arith.addi %mul3A_405, %mul3A_407 : i32
          %get3A_409 = arith.index_cast %add3A_408 : i32 to index
          %get3A_410 = tpu.vector_load %arg11[%get3A_409] {strides = array<i32>} : memref<8192xi32, #tpu.memory_space<vmem>>, vector<16xi32>,
          %ne3A_411 = arith.constant 0 : i32
          %ne3A_412 = vector.broadcast %ne3A_411 : i32 to vector<16xi32>
          %ne3A_413 = arith.cmpi ne, %get3A_410, %ne3A_412 : vector<16xi32>
          %min3A_414 = arith.minsi %add3A_395, %broadcast_in_dim3A_57 : vector<16xi32>
          %convert_element_type3A_415 = arith.extui %ne3A_413 : vector<16xi1> to vector<16xi32>
          %broadcast_in_dim3A_416 = arith.constant true
          %broadcast_in_dim3A_417 = vector.broadcast %broadcast_in_dim3A_416 : i1 to vector<16xi1>
          %masked_cumsum3A_418 = tpu.scan <sum>, %convert_element_type3A_415 masked %broadcast_in_dim3A_417 : vector<16xi32>, vector<16xi1> -> vector<16xi32>
          %add3A_419 = arith.addi %min3A_414, %masked_cumsum3A_418 : vector<16xi32>
          %sub3A_420 = arith.constant 1 : i32
          %sub3A_421 = vector.broadcast %sub3A_420 : i32 to vector<16xi32>
          %sub3A_422 = arith.subi %add3A_419, %sub3A_421 : vector<16xi32>
          %mul3A_423 = arith.constant 16 : i32
          %mul3A_424 = arith.muli %scan3A_403, %mul3A_423 : i32
          %add3A_425 = vector.broadcast %mul3A_424 : i32 to vector<16xi32>
          %add3A_426 = arith.addi %add3A_425, %iota3A : vector<16xi32>
          tpu.vector_store_idx %arg9[%sub3A_422], %add3A_426 masked %ne3A_413 : memref<48xi32, #tpu.memory_space<vmem>>[vector<16xi32>], vector<16xi32>, vector<16xi1>
          %sub3A_427 = arith.constant 1 : i32
          %sub3A_428 = vector.broadcast %sub3A_427 : i32 to vector<16xi32>
          %sub3A_429 = arith.subi %add3A_419, %sub3A_428 : vector<16xi32>
          tpu.vector_store_idx %arg10[%sub3A_429], %get3A_410 masked %ne3A_413 : memref<48xi32, #tpu.memory_space<vmem>>[vector<16xi32>], vector<16xi32>, vector<16xi1>
          %all_reduce_population_count3A_430 = tpu.all_reduce %ne3A_413 {dim = 0 : i64, kind = #tpu.reduction_kind<sum>} : vector<16xi1> -> vector<16xi32>
          %add3A_431 = arith.addi %add3A_395, %all_reduce_population_count3A_430 : vector<16xi32>
          %convert_element_type3A_432 = arith.extui %ne3A_413 : vector<16xi1> to vector<16xi32>
          %reduce_sum3A_433 = arith.constant true
          %reduce_sum3A_434 = vector.broadcast %reduce_sum3A_433 : i1 to vector<16xi1>
          %reduce_sum3A_435 = tpu.scan <sum>, %convert_element_type3A_432 masked %reduce_sum3A_434 : vector<16xi32>, vector<16xi1> -> vector<16xi32>
          %reduce_sum3A_436 = vector.extract %reduce_sum3A_435[15] : i32 from vector<16xi32>
          %add3A_437 = arith.addi %add3A_401, %reduce_sum3A_436 : i32
          scf.yield %add3A_431, %add3A_437 : vector<16xi32>, i32
        }
        %scan3A_257 = arith.constant 32 : i32
        %min3A = arith.constant 32 : i32
        %min3A_258 = arith.minsi %scan3A_256#1, %min3A : i32
        %while3A = arith.constant 0 : i32
        %while3A_259 = arith.subi %min3A_258, %while3A : i32
        %while3A_260 = arith.addi %while3A, %while3A_259 : i32
        %while3A_261 = arith.constant 1 : i32
        %while3A_262 = arith.divsi %while3A_259, %while3A_261 : i32
        %while3A_263 = arith.muli %while3A_262, %while3A_261 : i32
        %while3A_264 = arith.addi %while3A, %while3A_263 : i32
        %while3A_265 = arith.constant 1 : i32
        %while3A_266 = scf.for %while3A_296 = %while3A to %while3A_264 step %while3A_265 iter_args(%while3A_297 = %broadcast_in_dim3A_53) -> (vector<16xi32>)  : i32 {
          %broadcast_in_dim3A_298 = vector.broadcast %while3A_296 : i32 to vector<16xi32>
          %gather3A_299 = tpu.vector_load_idx %arg9[%broadcast_in_dim3A_298] : memref<48xi32, #tpu.memory_space<vmem>>[vector<16xi32>], vector<16xi32>,
          %gather3A_300 = tpu.vector_load_idx %arg10[%broadcast_in_dim3A_298] : memref<48xi32, #tpu.memory_space<vmem>>[vector<16xi32>], vector<16xi32>,
          %shift_right_arithmetic3A = arith.shrsi %gather3A_300, %iota3A : vector<16xi32>
          %and3A_301 = arith.andi %shift_right_arithmetic3A, %broadcast_in_dim3A_55 : vector<16xi32>
          %ne3A_302 = arith.constant 0 : i32
          %ne3A_303 = vector.broadcast %ne3A_302 : i32 to vector<16xi32>
          %ne3A_304 = arith.cmpi ne, %and3A_301, %ne3A_303 : vector<16xi32>
          %min3A_305 = arith.minsi %while3A_297, %broadcast_in_dim3A_57 : vector<16xi32>
          %convert_element_type3A_306 = arith.extui %ne3A_304 : vector<16xi1> to vector<16xi32>
          %broadcast_in_dim3A_307 = arith.constant true
          %broadcast_in_dim3A_308 = vector.broadcast %broadcast_in_dim3A_307 : i1 to vector<16xi1>
          %masked_cumsum3A = tpu.scan <sum>, %convert_element_type3A_306 masked %broadcast_in_dim3A_308 : vector<16xi32>, vector<16xi1> -> vector<16xi32>
          %add3A_309 = arith.addi %min3A_305, %masked_cumsum3A : vector<16xi32>
          %add3A_310 = arith.addi %broadcast_in_dim3A_249, %add3A_309 : vector<16xi32>
          %sub3A_311 = arith.constant 1 : i32
          %sub3A_312 = vector.broadcast %sub3A_311 : i32 to vector<16xi32>
          %sub3A_313 = arith.subi %add3A_310, %sub3A_312 : vector<16xi32>
          %mul3A_314 = arith.constant 16 : i32
          %mul3A_315 = vector.broadcast %mul3A_314 : i32 to vector<16xi32>
          %mul3A_316 = arith.muli %gather3A_299, %mul3A_315 : vector<16xi32>
          %add3A_317 = arith.addi %mul3A_316, %iota3A : vector<16xi32>
          tpu.vector_store_idx %arg8[%sub3A_313], %add3A_317 masked %ne3A_304 : memref<6144xi32, #tpu.memory_space<vmem>>[vector<16xi32>], vector<16xi32>, vector<16xi1>
          %all_reduce_population_count3A = tpu.all_reduce %ne3A_304 {dim = 0 : i64, kind = #tpu.reduction_kind<sum>} : vector<16xi1> -> vector<16xi32>
          %add3A_318 = arith.addi %while3A_297, %all_reduce_population_count3A : vector<16xi32>
          scf.yield %add3A_318 : vector<16xi32>
        }
        %while3A_267 = arith.constant 1 : i32
        %while3A_268 = scf.for %while3A_296 = %while3A_264 to %while3A_260 step %while3A_267 iter_args(%while3A_297 = %while3A_266) -> (vector<16xi32>)  : i32 {
          %broadcast_in_dim3A_298 = vector.broadcast %while3A_296 : i32 to vector<16xi32>
          %gather3A_299 = tpu.vector_load_idx %arg9[%broadcast_in_dim3A_298] : memref<48xi32, #tpu.memory_space<vmem>>[vector<16xi32>], vector<16xi32>,
          %gather3A_300 = tpu.vector_load_idx %arg10[%broadcast_in_dim3A_298] : memref<48xi32, #tpu.memory_space<vmem>>[vector<16xi32>], vector<16xi32>,
          %shift_right_arithmetic3A = arith.shrsi %gather3A_300, %iota3A : vector<16xi32>
          %and3A_301 = arith.andi %shift_right_arithmetic3A, %broadcast_in_dim3A_55 : vector<16xi32>
          %ne3A_302 = arith.constant 0 : i32
          %ne3A_303 = vector.broadcast %ne3A_302 : i32 to vector<16xi32>
          %ne3A_304 = arith.cmpi ne, %and3A_301, %ne3A_303 : vector<16xi32>
          %min3A_305 = arith.minsi %while3A_297, %broadcast_in_dim3A_57 : vector<16xi32>
          %convert_element_type3A_306 = arith.extui %ne3A_304 : vector<16xi1> to vector<16xi32>
          %broadcast_in_dim3A_307 = arith.constant true
          %broadcast_in_dim3A_308 = vector.broadcast %broadcast_in_dim3A_307 : i1 to vector<16xi1>
          %masked_cumsum3A = tpu.scan <sum>, %convert_element_type3A_306 masked %broadcast_in_dim3A_308 : vector<16xi32>, vector<16xi1> -> vector<16xi32>
          %add3A_309 = arith.addi %min3A_305, %masked_cumsum3A : vector<16xi32>
          %add3A_310 = arith.addi %broadcast_in_dim3A_249, %add3A_309 : vector<16xi32>
          %sub3A_311 = arith.constant 1 : i32
          %sub3A_312 = vector.broadcast %sub3A_311 : i32 to vector<16xi32>
          %sub3A_313 = arith.subi %add3A_310, %sub3A_312 : vector<16xi32>
          %mul3A_314 = arith.constant 16 : i32
          %mul3A_315 = vector.broadcast %mul3A_314 : i32 to vector<16xi32>
          %mul3A_316 = arith.muli %gather3A_299, %mul3A_315 : vector<16xi32>
          %add3A_317 = arith.addi %mul3A_316, %iota3A : vector<16xi32>
          tpu.vector_store_idx %arg8[%sub3A_313], %add3A_317 masked %ne3A_304 : memref<6144xi32, #tpu.memory_space<vmem>>[vector<16xi32>], vector<16xi32>, vector<16xi1>
          %all_reduce_population_count3A = tpu.all_reduce %ne3A_304 {dim = 0 : i64, kind = #tpu.reduction_kind<sum>} : vector<16xi1> -> vector<16xi32>
          %add3A_318 = arith.addi %while3A_297, %all_reduce_population_count3A : vector<16xi32>
          scf.yield %add3A_318 : vector<16xi32>
        }
        %min3A_269 = arith.minsi %while3A_268, %broadcast_in_dim3A_57 : vector<16xi32>
        %gather3A = tpu.vector_load_idx %arg8[%broadcast_in_dim3A_249] : memref<6144xi32, #tpu.memory_space<vmem>>[vector<16xi32>], vector<16xi32>,
        %add3A_270 = arith.constant 0 : i32
        %add3A_271 = vector.broadcast %add3A_270 : i32 to vector<16xi32>
        %add3A_272 = arith.addi %iota3A, %add3A_271 : vector<16xi32>
        %add3A_273 = arith.constant 0 : i32
        %add3A_274 = arith.addi %mul3A_248, %add3A_273 : i32
        %get3A = arith.index_cast %add3A_274 : i32 to index
        %get3A_275 = tpu.vector_load %arg8[%get3A] {strides = array<i32>} : memref<6144xi32, #tpu.memory_space<vmem>>, vector<16xi32>,
        %lt3A_276 = arith.cmpi slt, %add3A_272, %min3A_269 : vector<16xi32>
        %select_n3A_277 = arith.select %lt3A_276, %get3A_275, %gather3A : vector<16xi1>, vector<16xi32>
        %add3A_278 = arith.constant 0 : i32
        %add3A_279 = arith.addi %mul3A_248, %add3A_278 : i32
        %swap3A_280 = arith.index_cast %add3A_279 : i32 to index
        %swap3A_281 = tpu.vector_load %arg8[%swap3A_280] {strides = array<i32>} : memref<6144xi32, #tpu.memory_space<vmem>>, vector<16xi32>,
        tpu.vector_store %arg8[%swap3A_280], %select_n3A_277 {strides = array<i32>} : memref<6144xi32, #tpu.memory_space<vmem>>, vector<16xi32>,
        %add3A_282 = arith.constant 16 : i32
        %add3A_283 = vector.broadcast %add3A_282 : i32 to vector<16xi32>
        %add3A_284 = arith.addi %iota3A, %add3A_283 : vector<16xi32>
        %add3A_285 = arith.constant 16 : i32
        %add3A_286 = arith.addi %mul3A_248, %add3A_285 : i32
        %get3A_287 = arith.index_cast %add3A_286 : i32 to index
        %get3A_288 = tpu.vector_load %arg8[%get3A_287] {strides = array<i32>} : memref<6144xi32, #tpu.memory_space<vmem>>, vector<16xi32>,
        %lt3A_289 = arith.cmpi slt, %add3A_284, %min3A_269 : vector<16xi32>
        %select_n3A_290 = arith.select %lt3A_289, %get3A_288, %gather3A : vector<16xi1>, vector<16xi32>
        %add3A_291 = arith.constant 16 : i32
        %add3A_292 = arith.addi %mul3A_248, %add3A_291 : i32
        %swap3A_293 = arith.index_cast %add3A_292 : i32 to index
        %swap3A_294 = tpu.vector_load %arg8[%swap3A_293] {strides = array<i32>} : memref<6144xi32, #tpu.memory_space<vmem>>, vector<16xi32>,
        tpu.vector_store %arg8[%swap3A_293], %select_n3A_290 {strides = array<i32>} : memref<6144xi32, #tpu.memory_space<vmem>>, vector<16xi32>,
        %scan3A_295 = arith.constant 0 : i32
        scf.yield %scan3A_295 : i32
      }
      %scan3A_219 = arith.constant 16 : i32
      %lt3A_220 = arith.constant 3 : i32
      %lt3A_221 = arith.cmpi slt, %scan3A_205, %lt3A_220 : i32
      %convert_element_type3A = arith.extui %lt3A_221 : i1 to i32
      %cond3A = arith.constant 0 : i32
      %cond3A_222 = arith.cmpi ne, %convert_element_type3A, %cond3A : i32
      scf.if %cond3A_222 {
        %add3A_242 = arith.constant 2 : i32
        %add3A_243 = arith.addi %mul3A_208, %add3A_242 : i32
        %mul3A_244 = arith.constant 16 : i32
        %mul3A_245 = arith.muli %add3A_243, %mul3A_244 : i32
        %mul3A_246 = arith.constant 512 : i32
        %mul3A_247 = arith.muli %mul3A_245, %mul3A_246 : i32
        %add3A_248 = arith.addi %mul3A_64, %mul3A_247 : i32
        %dma_start3A_249 = tpu.memref_slice %arg2[%add3A_248] : memref<2097152xi32, #tpu.memory_space<hbm>> -> memref<8192xi32, #tpu.memory_space<hbm>>
        %dma_start3A_250 = tpu.memref_slice %arg2[%add3A_248] : memref<2097152xi32, #tpu.memory_space<hbm>> -> memref<8192xi32, #tpu.memory_space<hbm>>
        tpu.enqueue_dma source(%dma_start3A_250 : memref<8192xi32, #tpu.memory_space<hbm>>) target(%arg11 : memref<8192xi32, #tpu.memory_space<vmem>>) target_semaphore(%arg17 : memref<!tpu.dma_semaphore, #tpu.memory_space<semaphore_mem>>)
      } else {
      }
      %dma_wait3A_223 = arith.constant 0 : i32
      %dma_wait3A_224 = tpu.memref_slice %arg2[%dma_wait3A_223] : memref<2097152xi32, #tpu.memory_space<hbm>> -> memref<8192xi32, #tpu.memory_space<hbm>>
      %dma_wait3A_225 = arith.constant 0 : i32
      %dma_wait3A_226 = tpu.memref_slice %arg2[%dma_wait3A_225] : memref<2097152xi32, #tpu.memory_space<hbm>> -> memref<8192xi32, #tpu.memory_space<hbm>>
      tpu.wait_dma2 semaphore(%arg18 : memref<!tpu.dma_semaphore, #tpu.memory_space<semaphore_mem>>) src(%dma_wait3A_226 : memref<8192xi32, #tpu.memory_space<hbm>>) dst(%arg12 : memref<8192xi32, #tpu.memory_space<vmem>>)
      %add3A_227 = arith.constant 1 : i32
      %add3A_228 = arith.addi %mul3A_208, %add3A_227 : i32
      %scan3A_229 = arith.constant 0 : i32
      %scan3A_230 = arith.constant 0 : i32
      %scan3A_231 = arith.constant 16 : i32
      %scan3A_232 = arith.addi %scan3A_230, %scan3A_231 : i32
      %scan3A_233 = arith.constant 1 : i32
      %scan3A_234 = scf.for %scan3A_242 = %scan3A_230 to %scan3A_232 step %scan3A_233 iter_args(%scan3A_243 = %scan3A_229) -> (i32)  : i32 {
        %mul3A_244 = arith.constant 16 : i32
        %mul3A_245 = arith.muli %add3A_228, %mul3A_244 : i32
        %add3A_246 = arith.addi %mul3A_245, %scan3A_242 : i32
        %mul3A_247 = arith.constant 48 : i32
        %mul3A_248 = arith.muli %add3A_246, %mul3A_247 : i32
        %broadcast_in_dim3A_249 = vector.broadcast %mul3A_248 : i32 to vector<16xi32>
        %swap3A = arith.index_cast %mul3A_248 : i32 to index
        %swap3A_250 = tpu.vector_load %arg8[%swap3A] {strides = array<i32>} : memref<6144xi32, #tpu.memory_space<vmem>>, vector<16xi32>,
        tpu.vector_store %arg8[%swap3A], %broadcast_in_dim3A_53 {strides = array<i32>} : memref<6144xi32, #tpu.memory_space<vmem>>, vector<16xi32>,
        %scan3A_251 = arith.constant 0 : i32
        %scan3A_252 = arith.constant 0 : i32
        %scan3A_253 = arith.constant 32 : i32
        %scan3A_254 = arith.addi %scan3A_252, %scan3A_253 : i32
        %scan3A_255 = arith.constant 4 : i32
        %scan3A_256:2 = scf.for %scan3A_296 = %scan3A_252 to %scan3A_254 step %scan3A_255 iter_args(%scan3A_297 = %broadcast_in_dim3A_53, %scan3A_298 = %scan3A_251) -> (vector<16xi32>, i32)  : i32 {
          %mul3A_299 = arith.constant 512 : i32
          %mul3A_300 = arith.muli %scan3A_242, %mul3A_299 : i32
          %mul3A_301 = arith.constant 16 : i32
          %mul3A_302 = arith.muli %scan3A_296, %mul3A_301 : i32
          %add3A_303 = arith.addi %mul3A_300, %mul3A_302 : i32
          %get3A_304 = arith.index_cast %add3A_303 : i32 to index
          %get3A_305 = tpu.vector_load %arg12[%get3A_304] {strides = array<i32>} : memref<8192xi32, #tpu.memory_space<vmem>>, vector<16xi32>,
          %ne3A_306 = arith.constant 0 : i32
          %ne3A_307 = vector.broadcast %ne3A_306 : i32 to vector<16xi32>
          %ne3A_308 = arith.cmpi ne, %get3A_305, %ne3A_307 : vector<16xi32>
          %min3A_309 = arith.minsi %scan3A_297, %broadcast_in_dim3A_57 : vector<16xi32>
          %convert_element_type3A_310 = arith.extui %ne3A_308 : vector<16xi1> to vector<16xi32>
          %broadcast_in_dim3A_311 = arith.constant true
          %broadcast_in_dim3A_312 = vector.broadcast %broadcast_in_dim3A_311 : i1 to vector<16xi1>
          %masked_cumsum3A = tpu.scan <sum>, %convert_element_type3A_310 masked %broadcast_in_dim3A_312 : vector<16xi32>, vector<16xi1> -> vector<16xi32>
          %add3A_313 = arith.addi %min3A_309, %masked_cumsum3A : vector<16xi32>
          %sub3A_314 = arith.constant 1 : i32
          %sub3A_315 = vector.broadcast %sub3A_314 : i32 to vector<16xi32>
          %sub3A_316 = arith.subi %add3A_313, %sub3A_315 : vector<16xi32>
          %mul3A_317 = arith.constant 16 : i32
          %mul3A_318 = arith.muli %scan3A_296, %mul3A_317 : i32
          %add3A_319 = vector.broadcast %mul3A_318 : i32 to vector<16xi32>
          %add3A_320 = arith.addi %add3A_319, %iota3A : vector<16xi32>
          tpu.vector_store_idx %arg9[%sub3A_316], %add3A_320 masked %ne3A_308 : memref<48xi32, #tpu.memory_space<vmem>>[vector<16xi32>], vector<16xi32>, vector<16xi1>
          %sub3A_321 = arith.constant 1 : i32
          %sub3A_322 = vector.broadcast %sub3A_321 : i32 to vector<16xi32>
          %sub3A_323 = arith.subi %add3A_313, %sub3A_322 : vector<16xi32>
          tpu.vector_store_idx %arg10[%sub3A_323], %get3A_305 masked %ne3A_308 : memref<48xi32, #tpu.memory_space<vmem>>[vector<16xi32>], vector<16xi32>, vector<16xi1>
          %all_reduce_population_count3A = tpu.all_reduce %ne3A_308 {dim = 0 : i64, kind = #tpu.reduction_kind<sum>} : vector<16xi1> -> vector<16xi32>
          %add3A_324 = arith.addi %scan3A_297, %all_reduce_population_count3A : vector<16xi32>
          %convert_element_type3A_325 = arith.extui %ne3A_308 : vector<16xi1> to vector<16xi32>
          %reduce_sum3A = arith.constant true
          %reduce_sum3A_326 = vector.broadcast %reduce_sum3A : i1 to vector<16xi1>
          %reduce_sum3A_327 = tpu.scan <sum>, %convert_element_type3A_325 masked %reduce_sum3A_326 : vector<16xi32>, vector<16xi1> -> vector<16xi32>
          %reduce_sum3A_328 = vector.extract %reduce_sum3A_327[15] : i32 from vector<16xi32>
          %add3A_329 = arith.addi %scan3A_298, %reduce_sum3A_328 : i32
          %scan3A_330 = arith.constant 1 : i32
          %scan3A_331 = arith.addi %scan3A_296, %scan3A_330 : i32
          %mul3A_332 = arith.constant 512 : i32
          %mul3A_333 = arith.muli %scan3A_242, %mul3A_332 : i32
          %mul3A_334 = arith.constant 16 : i32
          %mul3A_335 = arith.muli %scan3A_331, %mul3A_334 : i32
          %add3A_336 = arith.addi %mul3A_333, %mul3A_335 : i32
          %get3A_337 = arith.index_cast %add3A_336 : i32 to index
          %get3A_338 = tpu.vector_load %arg12[%get3A_337] {strides = array<i32>} : memref<8192xi32, #tpu.memory_space<vmem>>, vector<16xi32>,
          %ne3A_339 = arith.constant 0 : i32
          %ne3A_340 = vector.broadcast %ne3A_339 : i32 to vector<16xi32>
          %ne3A_341 = arith.cmpi ne, %get3A_338, %ne3A_340 : vector<16xi32>
          %min3A_342 = arith.minsi %add3A_324, %broadcast_in_dim3A_57 : vector<16xi32>
          %convert_element_type3A_343 = arith.extui %ne3A_341 : vector<16xi1> to vector<16xi32>
          %broadcast_in_dim3A_344 = arith.constant true
          %broadcast_in_dim3A_345 = vector.broadcast %broadcast_in_dim3A_344 : i1 to vector<16xi1>
          %masked_cumsum3A_346 = tpu.scan <sum>, %convert_element_type3A_343 masked %broadcast_in_dim3A_345 : vector<16xi32>, vector<16xi1> -> vector<16xi32>
          %add3A_347 = arith.addi %min3A_342, %masked_cumsum3A_346 : vector<16xi32>
          %sub3A_348 = arith.constant 1 : i32
          %sub3A_349 = vector.broadcast %sub3A_348 : i32 to vector<16xi32>
          %sub3A_350 = arith.subi %add3A_347, %sub3A_349 : vector<16xi32>
          %mul3A_351 = arith.constant 16 : i32
          %mul3A_352 = arith.muli %scan3A_331, %mul3A_351 : i32
          %add3A_353 = vector.broadcast %mul3A_352 : i32 to vector<16xi32>
          %add3A_354 = arith.addi %add3A_353, %iota3A : vector<16xi32>
          tpu.vector_store_idx %arg9[%sub3A_350], %add3A_354 masked %ne3A_341 : memref<48xi32, #tpu.memory_space<vmem>>[vector<16xi32>], vector<16xi32>, vector<16xi1>
          %sub3A_355 = arith.constant 1 : i32
          %sub3A_356 = vector.broadcast %sub3A_355 : i32 to vector<16xi32>
          %sub3A_357 = arith.subi %add3A_347, %sub3A_356 : vector<16xi32>
          tpu.vector_store_idx %arg10[%sub3A_357], %get3A_338 masked %ne3A_341 : memref<48xi32, #tpu.memory_space<vmem>>[vector<16xi32>], vector<16xi32>, vector<16xi1>
          %all_reduce_population_count3A_358 = tpu.all_reduce %ne3A_341 {dim = 0 : i64, kind = #tpu.reduction_kind<sum>} : vector<16xi1> -> vector<16xi32>
          %add3A_359 = arith.addi %add3A_324, %all_reduce_population_count3A_358 : vector<16xi32>
          %convert_element_type3A_360 = arith.extui %ne3A_341 : vector<16xi1> to vector<16xi32>
          %reduce_sum3A_361 = arith.constant true
          %reduce_sum3A_362 = vector.broadcast %reduce_sum3A_361 : i1 to vector<16xi1>
          %reduce_sum3A_363 = tpu.scan <sum>, %convert_element_type3A_360 masked %reduce_sum3A_362 : vector<16xi32>, vector<16xi1> -> vector<16xi32>
          %reduce_sum3A_364 = vector.extract %reduce_sum3A_363[15] : i32 from vector<16xi32>
          %add3A_365 = arith.addi %add3A_329, %reduce_sum3A_364 : i32
          %scan3A_366 = arith.constant 2 : i32
          %scan3A_367 = arith.addi %scan3A_296, %scan3A_366 : i32
          %mul3A_368 = arith.constant 512 : i32
          %mul3A_369 = arith.muli %scan3A_242, %mul3A_368 : i32
          %mul3A_370 = arith.constant 16 : i32
          %mul3A_371 = arith.muli %scan3A_367, %mul3A_370 : i32
          %add3A_372 = arith.addi %mul3A_369, %mul3A_371 : i32
          %get3A_373 = arith.index_cast %add3A_372 : i32 to index
          %get3A_374 = tpu.vector_load %arg12[%get3A_373] {strides = array<i32>} : memref<8192xi32, #tpu.memory_space<vmem>>, vector<16xi32>,
          %ne3A_375 = arith.constant 0 : i32
          %ne3A_376 = vector.broadcast %ne3A_375 : i32 to vector<16xi32>
          %ne3A_377 = arith.cmpi ne, %get3A_374, %ne3A_376 : vector<16xi32>
          %min3A_378 = arith.minsi %add3A_359, %broadcast_in_dim3A_57 : vector<16xi32>
          %convert_element_type3A_379 = arith.extui %ne3A_377 : vector<16xi1> to vector<16xi32>
          %broadcast_in_dim3A_380 = arith.constant true
          %broadcast_in_dim3A_381 = vector.broadcast %broadcast_in_dim3A_380 : i1 to vector<16xi1>
          %masked_cumsum3A_382 = tpu.scan <sum>, %convert_element_type3A_379 masked %broadcast_in_dim3A_381 : vector<16xi32>, vector<16xi1> -> vector<16xi32>
          %add3A_383 = arith.addi %min3A_378, %masked_cumsum3A_382 : vector<16xi32>
          %sub3A_384 = arith.constant 1 : i32
          %sub3A_385 = vector.broadcast %sub3A_384 : i32 to vector<16xi32>
          %sub3A_386 = arith.subi %add3A_383, %sub3A_385 : vector<16xi32>
          %mul3A_387 = arith.constant 16 : i32
          %mul3A_388 = arith.muli %scan3A_367, %mul3A_387 : i32
          %add3A_389 = vector.broadcast %mul3A_388 : i32 to vector<16xi32>
          %add3A_390 = arith.addi %add3A_389, %iota3A : vector<16xi32>
          tpu.vector_store_idx %arg9[%sub3A_386], %add3A_390 masked %ne3A_377 : memref<48xi32, #tpu.memory_space<vmem>>[vector<16xi32>], vector<16xi32>, vector<16xi1>
          %sub3A_391 = arith.constant 1 : i32
          %sub3A_392 = vector.broadcast %sub3A_391 : i32 to vector<16xi32>
          %sub3A_393 = arith.subi %add3A_383, %sub3A_392 : vector<16xi32>
          tpu.vector_store_idx %arg10[%sub3A_393], %get3A_374 masked %ne3A_377 : memref<48xi32, #tpu.memory_space<vmem>>[vector<16xi32>], vector<16xi32>, vector<16xi1>
          %all_reduce_population_count3A_394 = tpu.all_reduce %ne3A_377 {dim = 0 : i64, kind = #tpu.reduction_kind<sum>} : vector<16xi1> -> vector<16xi32>
          %add3A_395 = arith.addi %add3A_359, %all_reduce_population_count3A_394 : vector<16xi32>
          %convert_element_type3A_396 = arith.extui %ne3A_377 : vector<16xi1> to vector<16xi32>
          %reduce_sum3A_397 = arith.constant true
          %reduce_sum3A_398 = vector.broadcast %reduce_sum3A_397 : i1 to vector<16xi1>
          %reduce_sum3A_399 = tpu.scan <sum>, %convert_element_type3A_396 masked %reduce_sum3A_398 : vector<16xi32>, vector<16xi1> -> vector<16xi32>
          %reduce_sum3A_400 = vector.extract %reduce_sum3A_399[15] : i32 from vector<16xi32>
          %add3A_401 = arith.addi %add3A_365, %reduce_sum3A_400 : i32
          %scan3A_402 = arith.constant 3 : i32
          %scan3A_403 = arith.addi %scan3A_296, %scan3A_402 : i32
          %mul3A_404 = arith.constant 512 : i32
          %mul3A_405 = arith.muli %scan3A_242, %mul3A_404 : i32
          %mul3A_406 = arith.constant 16 : i32
          %mul3A_407 = arith.muli %scan3A_403, %mul3A_406 : i32
          %add3A_408 = arith.addi %mul3A_405, %mul3A_407 : i32
          %get3A_409 = arith.index_cast %add3A_408 : i32 to index
          %get3A_410 = tpu.vector_load %arg12[%get3A_409] {strides = array<i32>} : memref<8192xi32, #tpu.memory_space<vmem>>, vector<16xi32>,
          %ne3A_411 = arith.constant 0 : i32
          %ne3A_412 = vector.broadcast %ne3A_411 : i32 to vector<16xi32>
          %ne3A_413 = arith.cmpi ne, %get3A_410, %ne3A_412 : vector<16xi32>
          %min3A_414 = arith.minsi %add3A_395, %broadcast_in_dim3A_57 : vector<16xi32>
          %convert_element_type3A_415 = arith.extui %ne3A_413 : vector<16xi1> to vector<16xi32>
          %broadcast_in_dim3A_416 = arith.constant true
          %broadcast_in_dim3A_417 = vector.broadcast %broadcast_in_dim3A_416 : i1 to vector<16xi1>
          %masked_cumsum3A_418 = tpu.scan <sum>, %convert_element_type3A_415 masked %broadcast_in_dim3A_417 : vector<16xi32>, vector<16xi1> -> vector<16xi32>
          %add3A_419 = arith.addi %min3A_414, %masked_cumsum3A_418 : vector<16xi32>
          %sub3A_420 = arith.constant 1 : i32
          %sub3A_421 = vector.broadcast %sub3A_420 : i32 to vector<16xi32>
          %sub3A_422 = arith.subi %add3A_419, %sub3A_421 : vector<16xi32>
          %mul3A_423 = arith.constant 16 : i32
          %mul3A_424 = arith.muli %scan3A_403, %mul3A_423 : i32
          %add3A_425 = vector.broadcast %mul3A_424 : i32 to vector<16xi32>
          %add3A_426 = arith.addi %add3A_425, %iota3A : vector<16xi32>
          tpu.vector_store_idx %arg9[%sub3A_422], %add3A_426 masked %ne3A_413 : memref<48xi32, #tpu.memory_space<vmem>>[vector<16xi32>], vector<16xi32>, vector<16xi1>
          %sub3A_427 = arith.constant 1 : i32
          %sub3A_428 = vector.broadcast %sub3A_427 : i32 to vector<16xi32>
          %sub3A_429 = arith.subi %add3A_419, %sub3A_428 : vector<16xi32>
          tpu.vector_store_idx %arg10[%sub3A_429], %get3A_410 masked %ne3A_413 : memref<48xi32, #tpu.memory_space<vmem>>[vector<16xi32>], vector<16xi32>, vector<16xi1>
          %all_reduce_population_count3A_430 = tpu.all_reduce %ne3A_413 {dim = 0 : i64, kind = #tpu.reduction_kind<sum>} : vector<16xi1> -> vector<16xi32>
          %add3A_431 = arith.addi %add3A_395, %all_reduce_population_count3A_430 : vector<16xi32>
          %convert_element_type3A_432 = arith.extui %ne3A_413 : vector<16xi1> to vector<16xi32>
          %reduce_sum3A_433 = arith.constant true
          %reduce_sum3A_434 = vector.broadcast %reduce_sum3A_433 : i1 to vector<16xi1>
          %reduce_sum3A_435 = tpu.scan <sum>, %convert_element_type3A_432 masked %reduce_sum3A_434 : vector<16xi32>, vector<16xi1> -> vector<16xi32>
          %reduce_sum3A_436 = vector.extract %reduce_sum3A_435[15] : i32 from vector<16xi32>
          %add3A_437 = arith.addi %add3A_401, %reduce_sum3A_436 : i32
          scf.yield %add3A_431, %add3A_437 : vector<16xi32>, i32
        }
        %scan3A_257 = arith.constant 32 : i32
        %min3A = arith.constant 32 : i32
        %min3A_258 = arith.minsi %scan3A_256#1, %min3A : i32
        %while3A = arith.constant 0 : i32
        %while3A_259 = arith.subi %min3A_258, %while3A : i32
        %while3A_260 = arith.addi %while3A, %while3A_259 : i32
        %while3A_261 = arith.constant 1 : i32
        %while3A_262 = arith.divsi %while3A_259, %while3A_261 : i32
        %while3A_263 = arith.muli %while3A_262, %while3A_261 : i32
        %while3A_264 = arith.addi %while3A, %while3A_263 : i32
        %while3A_265 = arith.constant 1 : i32
        %while3A_266 = scf.for %while3A_296 = %while3A to %while3A_264 step %while3A_265 iter_args(%while3A_297 = %broadcast_in_dim3A_53) -> (vector<16xi32>)  : i32 {
          %broadcast_in_dim3A_298 = vector.broadcast %while3A_296 : i32 to vector<16xi32>
          %gather3A_299 = tpu.vector_load_idx %arg9[%broadcast_in_dim3A_298] : memref<48xi32, #tpu.memory_space<vmem>>[vector<16xi32>], vector<16xi32>,
          %gather3A_300 = tpu.vector_load_idx %arg10[%broadcast_in_dim3A_298] : memref<48xi32, #tpu.memory_space<vmem>>[vector<16xi32>], vector<16xi32>,
          %shift_right_arithmetic3A = arith.shrsi %gather3A_300, %iota3A : vector<16xi32>
          %and3A_301 = arith.andi %shift_right_arithmetic3A, %broadcast_in_dim3A_55 : vector<16xi32>
          %ne3A_302 = arith.constant 0 : i32
          %ne3A_303 = vector.broadcast %ne3A_302 : i32 to vector<16xi32>
          %ne3A_304 = arith.cmpi ne, %and3A_301, %ne3A_303 : vector<16xi32>
          %min3A_305 = arith.minsi %while3A_297, %broadcast_in_dim3A_57 : vector<16xi32>
          %convert_element_type3A_306 = arith.extui %ne3A_304 : vector<16xi1> to vector<16xi32>
          %broadcast_in_dim3A_307 = arith.constant true
          %broadcast_in_dim3A_308 = vector.broadcast %broadcast_in_dim3A_307 : i1 to vector<16xi1>
          %masked_cumsum3A = tpu.scan <sum>, %convert_element_type3A_306 masked %broadcast_in_dim3A_308 : vector<16xi32>, vector<16xi1> -> vector<16xi32>
          %add3A_309 = arith.addi %min3A_305, %masked_cumsum3A : vector<16xi32>
          %add3A_310 = arith.addi %broadcast_in_dim3A_249, %add3A_309 : vector<16xi32>
          %sub3A_311 = arith.constant 1 : i32
          %sub3A_312 = vector.broadcast %sub3A_311 : i32 to vector<16xi32>
          %sub3A_313 = arith.subi %add3A_310, %sub3A_312 : vector<16xi32>
          %mul3A_314 = arith.constant 16 : i32
          %mul3A_315 = vector.broadcast %mul3A_314 : i32 to vector<16xi32>
          %mul3A_316 = arith.muli %gather3A_299, %mul3A_315 : vector<16xi32>
          %add3A_317 = arith.addi %mul3A_316, %iota3A : vector<16xi32>
          tpu.vector_store_idx %arg8[%sub3A_313], %add3A_317 masked %ne3A_304 : memref<6144xi32, #tpu.memory_space<vmem>>[vector<16xi32>], vector<16xi32>, vector<16xi1>
          %all_reduce_population_count3A = tpu.all_reduce %ne3A_304 {dim = 0 : i64, kind = #tpu.reduction_kind<sum>} : vector<16xi1> -> vector<16xi32>
          %add3A_318 = arith.addi %while3A_297, %all_reduce_population_count3A : vector<16xi32>
          scf.yield %add3A_318 : vector<16xi32>
        }
        %while3A_267 = arith.constant 1 : i32
        %while3A_268 = scf.for %while3A_296 = %while3A_264 to %while3A_260 step %while3A_267 iter_args(%while3A_297 = %while3A_266) -> (vector<16xi32>)  : i32 {
          %broadcast_in_dim3A_298 = vector.broadcast %while3A_296 : i32 to vector<16xi32>
          %gather3A_299 = tpu.vector_load_idx %arg9[%broadcast_in_dim3A_298] : memref<48xi32, #tpu.memory_space<vmem>>[vector<16xi32>], vector<16xi32>,
          %gather3A_300 = tpu.vector_load_idx %arg10[%broadcast_in_dim3A_298] : memref<48xi32, #tpu.memory_space<vmem>>[vector<16xi32>], vector<16xi32>,
          %shift_right_arithmetic3A = arith.shrsi %gather3A_300, %iota3A : vector<16xi32>
          %and3A_301 = arith.andi %shift_right_arithmetic3A, %broadcast_in_dim3A_55 : vector<16xi32>
          %ne3A_302 = arith.constant 0 : i32
          %ne3A_303 = vector.broadcast %ne3A_302 : i32 to vector<16xi32>
          %ne3A_304 = arith.cmpi ne, %and3A_301, %ne3A_303 : vector<16xi32>
          %min3A_305 = arith.minsi %while3A_297, %broadcast_in_dim3A_57 : vector<16xi32>
          %convert_element_type3A_306 = arith.extui %ne3A_304 : vector<16xi1> to vector<16xi32>
          %broadcast_in_dim3A_307 = arith.constant true
          %broadcast_in_dim3A_308 = vector.broadcast %broadcast_in_dim3A_307 : i1 to vector<16xi1>
          %masked_cumsum3A = tpu.scan <sum>, %convert_element_type3A_306 masked %broadcast_in_dim3A_308 : vector<16xi32>, vector<16xi1> -> vector<16xi32>
          %add3A_309 = arith.addi %min3A_305, %masked_cumsum3A : vector<16xi32>
          %add3A_310 = arith.addi %broadcast_in_dim3A_249, %add3A_309 : vector<16xi32>
          %sub3A_311 = arith.constant 1 : i32
          %sub3A_312 = vector.broadcast %sub3A_311 : i32 to vector<16xi32>
          %sub3A_313 = arith.subi %add3A_310, %sub3A_312 : vector<16xi32>
          %mul3A_314 = arith.constant 16 : i32
          %mul3A_315 = vector.broadcast %mul3A_314 : i32 to vector<16xi32>
          %mul3A_316 = arith.muli %gather3A_299, %mul3A_315 : vector<16xi32>
          %add3A_317 = arith.addi %mul3A_316, %iota3A : vector<16xi32>
          tpu.vector_store_idx %arg8[%sub3A_313], %add3A_317 masked %ne3A_304 : memref<6144xi32, #tpu.memory_space<vmem>>[vector<16xi32>], vector<16xi32>, vector<16xi1>
          %all_reduce_population_count3A = tpu.all_reduce %ne3A_304 {dim = 0 : i64, kind = #tpu.reduction_kind<sum>} : vector<16xi1> -> vector<16xi32>
          %add3A_318 = arith.addi %while3A_297, %all_reduce_population_count3A : vector<16xi32>
          scf.yield %add3A_318 : vector<16xi32>
        }
        %min3A_269 = arith.minsi %while3A_268, %broadcast_in_dim3A_57 : vector<16xi32>
        %gather3A = tpu.vector_load_idx %arg8[%broadcast_in_dim3A_249] : memref<6144xi32, #tpu.memory_space<vmem>>[vector<16xi32>], vector<16xi32>,
        %add3A_270 = arith.constant 0 : i32
        %add3A_271 = vector.broadcast %add3A_270 : i32 to vector<16xi32>
        %add3A_272 = arith.addi %iota3A, %add3A_271 : vector<16xi32>
        %add3A_273 = arith.constant 0 : i32
        %add3A_274 = arith.addi %mul3A_248, %add3A_273 : i32
        %get3A = arith.index_cast %add3A_274 : i32 to index
        %get3A_275 = tpu.vector_load %arg8[%get3A] {strides = array<i32>} : memref<6144xi32, #tpu.memory_space<vmem>>, vector<16xi32>,
        %lt3A_276 = arith.cmpi slt, %add3A_272, %min3A_269 : vector<16xi32>
        %select_n3A_277 = arith.select %lt3A_276, %get3A_275, %gather3A : vector<16xi1>, vector<16xi32>
        %add3A_278 = arith.constant 0 : i32
        %add3A_279 = arith.addi %mul3A_248, %add3A_278 : i32
        %swap3A_280 = arith.index_cast %add3A_279 : i32 to index
        %swap3A_281 = tpu.vector_load %arg8[%swap3A_280] {strides = array<i32>} : memref<6144xi32, #tpu.memory_space<vmem>>, vector<16xi32>,
        tpu.vector_store %arg8[%swap3A_280], %select_n3A_277 {strides = array<i32>} : memref<6144xi32, #tpu.memory_space<vmem>>, vector<16xi32>,
        %add3A_282 = arith.constant 16 : i32
        %add3A_283 = vector.broadcast %add3A_282 : i32 to vector<16xi32>
        %add3A_284 = arith.addi %iota3A, %add3A_283 : vector<16xi32>
        %add3A_285 = arith.constant 16 : i32
        %add3A_286 = arith.addi %mul3A_248, %add3A_285 : i32
        %get3A_287 = arith.index_cast %add3A_286 : i32 to index
        %get3A_288 = tpu.vector_load %arg8[%get3A_287] {strides = array<i32>} : memref<6144xi32, #tpu.memory_space<vmem>>, vector<16xi32>,
        %lt3A_289 = arith.cmpi slt, %add3A_284, %min3A_269 : vector<16xi32>
        %select_n3A_290 = arith.select %lt3A_289, %get3A_288, %gather3A : vector<16xi1>, vector<16xi32>
        %add3A_291 = arith.constant 16 : i32
        %add3A_292 = arith.addi %mul3A_248, %add3A_291 : i32
        %swap3A_293 = arith.index_cast %add3A_292 : i32 to index
        %swap3A_294 = tpu.vector_load %arg8[%swap3A_293] {strides = array<i32>} : memref<6144xi32, #tpu.memory_space<vmem>>, vector<16xi32>,
        tpu.vector_store %arg8[%swap3A_293], %select_n3A_290 {strides = array<i32>} : memref<6144xi32, #tpu.memory_space<vmem>>, vector<16xi32>,
        %scan3A_295 = arith.constant 0 : i32
        scf.yield %scan3A_295 : i32
      }
      %scan3A_235 = arith.constant 16 : i32
      %lt3A_236 = arith.constant 3 : i32
      %lt3A_237 = arith.cmpi slt, %scan3A_205, %lt3A_236 : i32
      %convert_element_type3A_238 = arith.extui %lt3A_237 : i1 to i32
      %cond3A_239 = arith.constant 0 : i32
      %cond3A_240 = arith.cmpi ne, %convert_element_type3A_238, %cond3A_239 : i32
      scf.if %cond3A_240 {
        %add3A_242 = arith.constant 3 : i32
        %add3A_243 = arith.addi %mul3A_208, %add3A_242 : i32
        %mul3A_244 = arith.constant 16 : i32
        %mul3A_245 = arith.muli %add3A_243, %mul3A_244 : i32
        %mul3A_246 = arith.constant 512 : i32
        %mul3A_247 = arith.muli %mul3A_245, %mul3A_246 : i32
        %add3A_248 = arith.addi %mul3A_64, %mul3A_247 : i32
        %dma_start3A_249 = tpu.memref_slice %arg2[%add3A_248] : memref<2097152xi32, #tpu.memory_space<hbm>> -> memref<8192xi32, #tpu.memory_space<hbm>>
        %dma_start3A_250 = tpu.memref_slice %arg2[%add3A_248] : memref<2097152xi32, #tpu.memory_space<hbm>> -> memref<8192xi32, #tpu.memory_space<hbm>>
        tpu.enqueue_dma source(%dma_start3A_250 : memref<8192xi32, #tpu.memory_space<hbm>>) target(%arg12 : memref<8192xi32, #tpu.memory_space<vmem>>) target_semaphore(%arg18 : memref<!tpu.dma_semaphore, #tpu.memory_space<semaphore_mem>>)
      } else {
      }
      %scan3A_241 = arith.constant 0 : i32
      scf.yield %scan3A_241 : i32
    }
    %scan3A_78 = arith.constant 4 : i32
    %mul3A_79 = arith.constant 131 : i32
    %mul3A_80 = arith.muli %select_n3A, %mul3A_79 : i32
    %mul3A_81 = arith.constant 1024 : i32
    %mul3A_82 = arith.muli %mul3A_80, %mul3A_81 : i32
    %mul3A_83 = arith.constant 32 : i32
    %mul3A_84 = arith.muli %mul3A_82, %mul3A_83 : i32
    %mul3A_85 = arith.constant 4096 : i32
    %mul3A_86 = arith.muli %select_n3A_30, %mul3A_85 : i32
    %add3A_87 = arith.addi %mul3A_84, %mul3A_86 : i32
    %dma_wait3A = arith.constant 0 : i32
    %dma_wait3A_88 = tpu.memref_slice %arg13[%dma_wait3A] : memref<32768xf32, #tpu.memory_space<vmem>> -> memref<24576xf32, #tpu.memory_space<vmem>>
    %dma_wait3A_89 = arith.constant 0 : i32
    %dma_wait3A_90 = tpu.memref_slice %arg4[%dma_wait3A_89] : memref<98304xf32, #tpu.memory_space<hbm>> -> memref<24576xf32, #tpu.memory_space<hbm>>
    %dma_wait3A_91 = arith.constant 0 : i32
    %dma_wait3A_92 = tpu.memref_slice %arg13[%dma_wait3A_91] : memref<32768xf32, #tpu.memory_space<vmem>> -> memref<24576xf32, #tpu.memory_space<vmem>>
    %dma_wait3A_93 = arith.constant 0 : i32
    %dma_wait3A_94 = tpu.memref_slice %arg4[%dma_wait3A_93] : memref<98304xf32, #tpu.memory_space<hbm>> -> memref<24576xf32, #tpu.memory_space<hbm>>
    tpu.wait_dma2 semaphore(%arg19 : memref<!tpu.dma_semaphore, #tpu.memory_space<semaphore_mem>>) src(%dma_wait3A_94 : memref<24576xf32, #tpu.memory_space<hbm>>) dst(%dma_wait3A_92 : memref<24576xf32, #tpu.memory_space<vmem>>)
    %scan3A_95 = arith.constant 0 : i32
    %scan3A_96 = arith.constant 0 : i32
    %scan3A_97 = arith.constant 128 : i32
    %scan3A_98 = arith.addi %scan3A_96, %scan3A_97 : i32
    %scan3A_99 = arith.constant 1 : i32
    %scan3A_100 = scf.for %scan3A_205 = %scan3A_96 to %scan3A_98 step %scan3A_99 iter_args(%scan3A_206 = %scan3A_95) -> (i32)  : i32 {
      %mul3A_207 = arith.constant 48 : i32
      %mul3A_208 = arith.muli %scan3A_205, %mul3A_207 : i32
      %add3A_209 = arith.constant 0 : i32
      %add3A_210 = arith.addi %mul3A_208, %add3A_209 : i32
      %get3A = arith.index_cast %add3A_210 : i32 to index
      %get3A_211 = tpu.vector_load %arg8[%get3A] {strides = array<i32>} : memref<6144xi32, #tpu.memory_space<vmem>>, vector<16xi32>,
      %mul3A_212 = arith.constant 32 : i32
      %mul3A_213 = arith.muli %scan3A_205, %mul3A_212 : i32
      %add3A_214 = arith.constant 0 : i32
      %add3A_215 = arith.addi %mul3A_213, %add3A_214 : i32
      %mul3A_216 = arith.constant 3 : i32
      %mul3A_217 = arith.muli %scan3A_205, %mul3A_216 : i32
      %add3A_218 = arith.constant 0 : i32
      %add3A_219 = arith.addi %mul3A_217, %add3A_218 : i32
      %broadcast_in_dim3A_220 = vector.broadcast %add3A_219 : i32 to vector<16xi32>
      %gather3A = tpu.vector_load_idx %arg7[%broadcast_in_dim3A_220] : memref<384xf32, #tpu.memory_space<vmem>>[vector<16xi32>], vector<16xf32>,
      %add3A_221 = arith.constant 0 : i32
      %add3A_222 = vector.broadcast %add3A_221 : i32 to vector<16xi32>
      %add3A_223 = arith.addi %get3A_211, %add3A_222 : vector<16xi32>
      %gather3A_224 = tpu.vector_load_idx %arg13[%add3A_223] : memref<32768xf32, #tpu.memory_space<vmem>>[vector<16xi32>], vector<16xf32>,
      %sub3A_225 = arith.subf %gather3A_224, %gather3A : vector<16xf32>
      %add3A_226 = arith.constant 0 : i32
      %add3A_227 = arith.addi %add3A_226, %add3A_215 : i32
      %swap3A = arith.index_cast %add3A_227 : i32 to index
      %swap3A_228 = tpu.vector_load %arg15[%swap3A] {strides = array<i32>} : memref<16384xf32, #tpu.memory_space<vmem>>, vector<16xf32>,
      tpu.vector_store %arg15[%swap3A], %sub3A_225 {strides = array<i32>} : memref<16384xf32, #tpu.memory_space<vmem>>, vector<16xf32>,
      %mul3A_229 = arith.constant 3 : i32
      %mul3A_230 = arith.muli %scan3A_205, %mul3A_229 : i32
      %add3A_231 = arith.constant 1 : i32
      %add3A_232 = arith.addi %mul3A_230, %add3A_231 : i32
      %broadcast_in_dim3A_233 = vector.broadcast %add3A_232 : i32 to vector<16xi32>
      %gather3A_234 = tpu.vector_load_idx %arg7[%broadcast_in_dim3A_233] : memref<384xf32, #tpu.memory_space<vmem>>[vector<16xi32>], vector<16xf32>,
      %add3A_235 = arith.constant 8192 : i32
      %add3A_236 = vector.broadcast %add3A_235 : i32 to vector<16xi32>
      %add3A_237 = arith.addi %get3A_211, %add3A_236 : vector<16xi32>
      %gather3A_238 = tpu.vector_load_idx %arg13[%add3A_237] : memref<32768xf32, #tpu.memory_space<vmem>>[vector<16xi32>], vector<16xf32>,
      %sub3A_239 = arith.subf %gather3A_238, %gather3A_234 : vector<16xf32>
      %add3A_240 = arith.constant 4096 : i32
      %add3A_241 = arith.addi %add3A_240, %add3A_215 : i32
      %swap3A_242 = arith.index_cast %add3A_241 : i32 to index
      %swap3A_243 = tpu.vector_load %arg15[%swap3A_242] {strides = array<i32>} : memref<16384xf32, #tpu.memory_space<vmem>>, vector<16xf32>,
      tpu.vector_store %arg15[%swap3A_242], %sub3A_239 {strides = array<i32>} : memref<16384xf32, #tpu.memory_space<vmem>>, vector<16xf32>,
      %mul3A_244 = arith.constant 3 : i32
      %mul3A_245 = arith.muli %scan3A_205, %mul3A_244 : i32
      %add3A_246 = arith.constant 2 : i32
      %add3A_247 = arith.addi %mul3A_245, %add3A_246 : i32
      %broadcast_in_dim3A_248 = vector.broadcast %add3A_247 : i32 to vector<16xi32>
      %gather3A_249 = tpu.vector_load_idx %arg7[%broadcast_in_dim3A_248] : memref<384xf32, #tpu.memory_space<vmem>>[vector<16xi32>], vector<16xf32>,
      %add3A_250 = arith.constant 16384 : i32
      %add3A_251 = vector.broadcast %add3A_250 : i32 to vector<16xi32>
      %add3A_252 = arith.addi %get3A_211, %add3A_251 : vector<16xi32>
      %gather3A_253 = tpu.vector_load_idx %arg13[%add3A_252] : memref<32768xf32, #tpu.memory_space<vmem>>[vector<16xi32>], vector<16xf32>,
      %sub3A_254 = arith.subf %gather3A_253, %gather3A_249 : vector<16xf32>
      %add3A_255 = arith.constant 8192 : i32
      %add3A_256 = arith.addi %add3A_255, %add3A_215 : i32
      %swap3A_257 = arith.index_cast %add3A_256 : i32 to index
      %swap3A_258 = tpu.vector_load %arg15[%swap3A_257] {strides = array<i32>} : memref<16384xf32, #tpu.memory_space<vmem>>, vector<16xf32>,
      tpu.vector_store %arg15[%swap3A_257], %sub3A_254 {strides = array<i32>} : memref<16384xf32, #tpu.memory_space<vmem>>, vector<16xf32>,
      %mul3A_259 = arith.constant 48 : i32
      %mul3A_260 = arith.muli %scan3A_205, %mul3A_259 : i32
      %add3A_261 = arith.constant 16 : i32
      %add3A_262 = arith.addi %mul3A_260, %add3A_261 : i32
      %get3A_263 = arith.index_cast %add3A_262 : i32 to index
      %get3A_264 = tpu.vector_load %arg8[%get3A_263] {strides = array<i32>} : memref<6144xi32, #tpu.memory_space<vmem>>, vector<16xi32>,
      %mul3A_265 = arith.constant 32 : i32
      %mul3A_266 = arith.muli %scan3A_205, %mul3A_265 : i32
      %add3A_267 = arith.constant 16 : i32
      %add3A_268 = arith.addi %mul3A_266, %add3A_267 : i32
      %mul3A_269 = arith.constant 3 : i32
      %mul3A_270 = arith.muli %scan3A_205, %mul3A_269 : i32
      %add3A_271 = arith.constant 0 : i32
      %add3A_272 = arith.addi %mul3A_270, %add3A_271 : i32
      %broadcast_in_dim3A_273 = vector.broadcast %add3A_272 : i32 to vector<16xi32>
      %gather3A_274 = tpu.vector_load_idx %arg7[%broadcast_in_dim3A_273] : memref<384xf32, #tpu.memory_space<vmem>>[vector<16xi32>], vector<16xf32>,
      %add3A_275 = arith.constant 0 : i32
      %add3A_276 = vector.broadcast %add3A_275 : i32 to vector<16xi32>
      %add3A_277 = arith.addi %get3A_264, %add3A_276 : vector<16xi32>
      %gather3A_278 = tpu.vector_load_idx %arg13[%add3A_277] : memref<32768xf32, #tpu.memory_space<vmem>>[vector<16xi32>], vector<16xf32>,
      %sub3A_279 = arith.subf %gather3A_278, %gather3A_274 : vector<16xf32>
      %add3A_280 = arith.constant 0 : i32
      %add3A_281 = arith.addi %add3A_280, %add3A_268 : i32
      %swap3A_282 = arith.index_cast %add3A_281 : i32 to index
      %swap3A_283 = tpu.vector_load %arg15[%swap3A_282] {strides = array<i32>} : memref<16384xf32, #tpu.memory_space<vmem>>, vector<16xf32>,
      tpu.vector_store %arg15[%swap3A_282], %sub3A_279 {strides = array<i32>} : memref<16384xf32, #tpu.memory_space<vmem>>, vector<16xf32>,
      %mul3A_284 = arith.constant 3 : i32
      %mul3A_285 = arith.muli %scan3A_205, %mul3A_284 : i32
      %add3A_286 = arith.constant 1 : i32
      %add3A_287 = arith.addi %mul3A_285, %add3A_286 : i32
      %broadcast_in_dim3A_288 = vector.broadcast %add3A_287 : i32 to vector<16xi32>
      %gather3A_289 = tpu.vector_load_idx %arg7[%broadcast_in_dim3A_288] : memref<384xf32, #tpu.memory_space<vmem>>[vector<16xi32>], vector<16xf32>,
      %add3A_290 = arith.constant 8192 : i32
      %add3A_291 = vector.broadcast %add3A_290 : i32 to vector<16xi32>
      %add3A_292 = arith.addi %get3A_264, %add3A_291 : vector<16xi32>
      %gather3A_293 = tpu.vector_load_idx %arg13[%add3A_292] : memref<32768xf32, #tpu.memory_space<vmem>>[vector<16xi32>], vector<16xf32>,
      %sub3A_294 = arith.subf %gather3A_293, %gather3A_289 : vector<16xf32>
      %add3A_295 = arith.constant 4096 : i32
      %add3A_296 = arith.addi %add3A_295, %add3A_268 : i32
      %swap3A_297 = arith.index_cast %add3A_296 : i32 to index
      %swap3A_298 = tpu.vector_load %arg15[%swap3A_297] {strides = array<i32>} : memref<16384xf32, #tpu.memory_space<vmem>>, vector<16xf32>,
      tpu.vector_store %arg15[%swap3A_297], %sub3A_294 {strides = array<i32>} : memref<16384xf32, #tpu.memory_space<vmem>>, vector<16xf32>,
      %mul3A_299 = arith.constant 3 : i32
      %mul3A_300 = arith.muli %scan3A_205, %mul3A_299 : i32
      %add3A_301 = arith.constant 2 : i32
      %add3A_302 = arith.addi %mul3A_300, %add3A_301 : i32
      %broadcast_in_dim3A_303 = vector.broadcast %add3A_302 : i32 to vector<16xi32>
      %gather3A_304 = tpu.vector_load_idx %arg7[%broadcast_in_dim3A_303] : memref<384xf32, #tpu.memory_space<vmem>>[vector<16xi32>], vector<16xf32>,
      %add3A_305 = arith.constant 16384 : i32
      %add3A_306 = vector.broadcast %add3A_305 : i32 to vector<16xi32>
      %add3A_307 = arith.addi %get3A_264, %add3A_306 : vector<16xi32>
      %gather3A_308 = tpu.vector_load_idx %arg13[%add3A_307] : memref<32768xf32, #tpu.memory_space<vmem>>[vector<16xi32>], vector<16xf32>,
      %sub3A_309 = arith.subf %gather3A_308, %gather3A_304 : vector<16xf32>
      %add3A_310 = arith.constant 8192 : i32
      %add3A_311 = arith.addi %add3A_310, %add3A_268 : i32
      %swap3A_312 = arith.index_cast %add3A_311 : i32 to index
      %swap3A_313 = tpu.vector_load %arg15[%swap3A_312] {strides = array<i32>} : memref<16384xf32, #tpu.memory_space<vmem>>, vector<16xf32>,
      tpu.vector_store %arg15[%swap3A_312], %sub3A_309 {strides = array<i32>} : memref<16384xf32, #tpu.memory_space<vmem>>, vector<16xf32>,
      %scan3A_314 = arith.constant 0 : i32
      scf.yield %scan3A_314 : i32
    }
    %scan3A_101 = arith.constant 128 : i32
    %add3A_102 = arith.constant 0 : i32
    %add3A_103 = arith.addi %add3A_87, %add3A_102 : i32
    %dma_start3A_104 = arith.constant 0 : i32
    %dma_start3A_105 = tpu.memref_slice %arg15[%dma_start3A_104] : memref<16384xf32, #tpu.memory_space<vmem>> -> memref<4096xf32, #tpu.memory_space<vmem>>
    %dma_start3A_106 = tpu.memref_slice %arg6[%add3A_103] : memref<17170432xf32, #tpu.memory_space<hbm>> -> memref<4096xf32, #tpu.memory_space<hbm>>
    %dma_start3A_107 = tpu.memref_slice %arg6[%add3A_103] : memref<17170432xf32, #tpu.memory_space<hbm>> -> memref<4096xf32, #tpu.memory_space<hbm>>
    %dma_start3A_108 = arith.constant 0 : i32
    %dma_start3A_109 = tpu.memref_slice %arg15[%dma_start3A_108] : memref<16384xf32, #tpu.memory_space<vmem>> -> memref<4096xf32, #tpu.memory_space<vmem>>
    tpu.enqueue_dma source(%dma_start3A_109 : memref<4096xf32, #tpu.memory_space<vmem>>) target(%dma_start3A_107 : memref<4096xf32, #tpu.memory_space<hbm>>) target_semaphore(%arg21 : memref<!tpu.dma_semaphore, #tpu.memory_space<semaphore_mem>>)
    %add3A_110 = arith.constant 32768 : i32
    %add3A_111 = arith.addi %add3A_87, %add3A_110 : i32
    %dma_start3A_112 = arith.constant 4096 : i32
    %dma_start3A_113 = tpu.memref_slice %arg15[%dma_start3A_112] : memref<16384xf32, #tpu.memory_space<vmem>> -> memref<4096xf32, #tpu.memory_space<vmem>>
    %dma_start3A_114 = tpu.memref_slice %arg6[%add3A_111] : memref<17170432xf32, #tpu.memory_space<hbm>> -> memref<4096xf32, #tpu.memory_space<hbm>>
    %dma_start3A_115 = tpu.memref_slice %arg6[%add3A_111] : memref<17170432xf32, #tpu.memory_space<hbm>> -> memref<4096xf32, #tpu.memory_space<hbm>>
    %dma_start3A_116 = arith.constant 4096 : i32
    %dma_start3A_117 = tpu.memref_slice %arg15[%dma_start3A_116] : memref<16384xf32, #tpu.memory_space<vmem>> -> memref<4096xf32, #tpu.memory_space<vmem>>
    tpu.enqueue_dma source(%dma_start3A_117 : memref<4096xf32, #tpu.memory_space<vmem>>) target(%dma_start3A_115 : memref<4096xf32, #tpu.memory_space<hbm>>) target_semaphore(%arg21 : memref<!tpu.dma_semaphore, #tpu.memory_space<semaphore_mem>>)
    %add3A_118 = arith.constant 65536 : i32
    %add3A_119 = arith.addi %add3A_87, %add3A_118 : i32
    %dma_start3A_120 = arith.constant 8192 : i32
    %dma_start3A_121 = tpu.memref_slice %arg15[%dma_start3A_120] : memref<16384xf32, #tpu.memory_space<vmem>> -> memref<4096xf32, #tpu.memory_space<vmem>>
    %dma_start3A_122 = tpu.memref_slice %arg6[%add3A_119] : memref<17170432xf32, #tpu.memory_space<hbm>> -> memref<4096xf32, #tpu.memory_space<hbm>>
    %dma_start3A_123 = tpu.memref_slice %arg6[%add3A_119] : memref<17170432xf32, #tpu.memory_space<hbm>> -> memref<4096xf32, #tpu.memory_space<hbm>>
    %dma_start3A_124 = arith.constant 8192 : i32
    %dma_start3A_125 = tpu.memref_slice %arg15[%dma_start3A_124] : memref<16384xf32, #tpu.memory_space<vmem>> -> memref<4096xf32, #tpu.memory_space<vmem>>
    tpu.enqueue_dma source(%dma_start3A_125 : memref<4096xf32, #tpu.memory_space<vmem>>) target(%dma_start3A_123 : memref<4096xf32, #tpu.memory_space<hbm>>) target_semaphore(%arg21 : memref<!tpu.dma_semaphore, #tpu.memory_space<semaphore_mem>>)
    %mul3A_126 = arith.constant 128 : i32
    %mul3A_127 = arith.muli %select_n3A, %mul3A_126 : i32
    %add3A_128 = arith.constant 4 : i32
    %add3A_129 = arith.addi %mul3A_127, %add3A_128 : i32
    %mul3A_130 = arith.constant 8192 : i32
    %mul3A_131 = arith.muli %add3A_129, %mul3A_130 : i32
    %dma_start3A_132 = tpu.memref_slice %arg5[%mul3A_131] : memref<4194304xf32, #tpu.memory_space<hbm>> -> memref<32768xf32, #tpu.memory_space<hbm>>
    %dma_start3A_133 = tpu.memref_slice %arg5[%mul3A_131] : memref<4194304xf32, #tpu.memory_space<hbm>> -> memref<32768xf32, #tpu.memory_space<hbm>>
    tpu.enqueue_dma source(%dma_start3A_133 : memref<32768xf32, #tpu.memory_space<hbm>>) target(%arg13 : memref<32768xf32, #tpu.memory_space<vmem>>) target_semaphore(%arg19 : memref<!tpu.dma_semaphore, #tpu.memory_space<semaphore_mem>>)
    %scan3A_134 = arith.constant 0 : i32
    %scan3A_135 = arith.constant 0 : i32
    %scan3A_136 = arith.constant 16 : i32
    %scan3A_137 = arith.addi %scan3A_135, %scan3A_136 : i32
    %scan3A_138 = arith.constant 1 : i32
    %scan3A_139 = scf.for %scan3A_205 = %scan3A_135 to %scan3A_137 step %scan3A_138 iter_args(%scan3A_206 = %scan3A_134) -> (i32)  : i32 {
      %mul3A_207 = arith.constant 2 : i32
      %mul3A_208 = arith.muli %scan3A_205, %mul3A_207 : i32
      %dma_wait3A_209 = arith.constant 0 : i32
      %dma_wait3A_210 = tpu.memref_slice %arg5[%dma_wait3A_209] : memref<4194304xf32, #tpu.memory_space<hbm>> -> memref<32768xf32, #tpu.memory_space<hbm>>
      %dma_wait3A_211 = arith.constant 0 : i32
      %dma_wait3A_212 = tpu.memref_slice %arg5[%dma_wait3A_211] : memref<4194304xf32, #tpu.memory_space<hbm>> -> memref<32768xf32, #tpu.memory_space<hbm>>
      tpu.wait_dma2 semaphore(%arg20 : memref<!tpu.dma_semaphore, #tpu.memory_space<semaphore_mem>>) src(%dma_wait3A_212 : memref<32768xf32, #tpu.memory_space<hbm>>) dst(%arg14 : memref<32768xf32, #tpu.memory_space<vmem>>)
      %eq3A_213 = arith.constant 0 : i32
      %eq3A_214 = arith.cmpi eq, %scan3A_205, %eq3A_213 : i32
      %convert_element_type3A = arith.extui %eq3A_214 : i1 to i32
      %cond3A = arith.constant 0 : i32
      %cond3A_215 = arith.cmpi ne, %convert_element_type3A, %cond3A : i32
      scf.if %cond3A_215 {
        %add3A_400 = arith.constant 0 : i32
        %add3A_401 = arith.addi %add3A_87, %add3A_400 : i32
        %dma_wait3A_402 = arith.constant 0 : i32
        %dma_wait3A_403 = tpu.memref_slice %arg15[%dma_wait3A_402] : memref<16384xf32, #tpu.memory_space<vmem>> -> memref<4096xf32, #tpu.memory_space<vmem>>
        %dma_wait3A_404 = tpu.memref_slice %arg6[%add3A_401] : memref<17170432xf32, #tpu.memory_space<hbm>> -> memref<4096xf32, #tpu.memory_space<hbm>>
        %dma_wait3A_405 = tpu.memref_slice %arg6[%add3A_401] : memref<17170432xf32, #tpu.memory_space<hbm>> -> memref<4096xf32, #tpu.memory_space<hbm>>
        %dma_wait3A_406 = arith.constant 0 : i32
        %dma_wait3A_407 = tpu.memref_slice %arg15[%dma_wait3A_406] : memref<16384xf32, #tpu.memory_space<vmem>> -> memref<4096xf32, #tpu.memory_space<vmem>>
        tpu.wait_dma2 semaphore(%arg21 : memref<!tpu.dma_semaphore, #tpu.memory_space<semaphore_mem>>) src(%dma_wait3A_407 : memref<4096xf32, #tpu.memory_space<vmem>>) dst(%dma_wait3A_405 : memref<4096xf32, #tpu.memory_space<hbm>>)
        %add3A_408 = arith.constant 32768 : i32
        %add3A_409 = arith.addi %add3A_87, %add3A_408 : i32
        %dma_wait3A_410 = arith.constant 4096 : i32
        %dma_wait3A_411 = tpu.memref_slice %arg15[%dma_wait3A_410] : memref<16384xf32, #tpu.memory_space<vmem>> -> memref<4096xf32, #tpu.memory_space<vmem>>
        %dma_wait3A_412 = tpu.memref_slice %arg6[%add3A_409] : memref<17170432xf32, #tpu.memory_space<hbm>> -> memref<4096xf32, #tpu.memory_space<hbm>>
        %dma_wait3A_413 = tpu.memref_slice %arg6[%add3A_409] : memref<17170432xf32, #tpu.memory_space<hbm>> -> memref<4096xf32, #tpu.memory_space<hbm>>
        %dma_wait3A_414 = arith.constant 4096 : i32
        %dma_wait3A_415 = tpu.memref_slice %arg15[%dma_wait3A_414] : memref<16384xf32, #tpu.memory_space<vmem>> -> memref<4096xf32, #tpu.memory_space<vmem>>
        tpu.wait_dma2 semaphore(%arg21 : memref<!tpu.dma_semaphore, #tpu.memory_space<semaphore_mem>>) src(%dma_wait3A_415 : memref<4096xf32, #tpu.memory_space<vmem>>) dst(%dma_wait3A_413 : memref<4096xf32, #tpu.memory_space<hbm>>)
        %add3A_416 = arith.constant 65536 : i32
        %add3A_417 = arith.addi %add3A_87, %add3A_416 : i32
        %dma_wait3A_418 = arith.constant 8192 : i32
        %dma_wait3A_419 = tpu.memref_slice %arg15[%dma_wait3A_418] : memref<16384xf32, #tpu.memory_space<vmem>> -> memref<4096xf32, #tpu.memory_space<vmem>>
        %dma_wait3A_420 = tpu.memref_slice %arg6[%add3A_417] : memref<17170432xf32, #tpu.memory_space<hbm>> -> memref<4096xf32, #tpu.memory_space<hbm>>
        %dma_wait3A_421 = tpu.memref_slice %arg6[%add3A_417] : memref<17170432xf32, #tpu.memory_space<hbm>> -> memref<4096xf32, #tpu.memory_space<hbm>>
        %dma_wait3A_422 = arith.constant 8192 : i32
        %dma_wait3A_423 = tpu.memref_slice %arg15[%dma_wait3A_422] : memref<16384xf32, #tpu.memory_space<vmem>> -> memref<4096xf32, #tpu.memory_space<vmem>>
        tpu.wait_dma2 semaphore(%arg21 : memref<!tpu.dma_semaphore, #tpu.memory_space<semaphore_mem>>) src(%dma_wait3A_423 : memref<4096xf32, #tpu.memory_space<vmem>>) dst(%dma_wait3A_421 : memref<4096xf32, #tpu.memory_space<hbm>>)
      } else {
      }
      %gt3A = arith.constant 0 : i32
      %gt3A_216 = arith.cmpi sgt, %scan3A_205, %gt3A : i32
      %convert_element_type3A_217 = arith.extui %gt3A_216 : i1 to i32
      %cond3A_218 = arith.constant 0 : i32
      %cond3A_219 = arith.cmpi ne, %convert_element_type3A_217, %cond3A_218 : i32
      scf.if %cond3A_219 {
        %sub3A_400 = arith.constant 2 : i32
        %sub3A_401 = arith.subi %mul3A_208, %sub3A_400 : i32
        %mul3A_402 = arith.constant 4 : i32
        %mul3A_403 = arith.muli %sub3A_401, %mul3A_402 : i32
        %add3A_404 = arith.constant 3 : i32
        %add3A_405 = arith.addi %add3A_404, %mul3A_403 : i32
        %add3A_406 = arith.constant 0 : i32
        %add3A_407 = arith.addi %add3A_405, %add3A_406 : i32
        %mul3A_408 = arith.constant 1024 : i32
        %mul3A_409 = arith.muli %add3A_407, %mul3A_408 : i32
        %mul3A_410 = arith.constant 32 : i32
        %mul3A_411 = arith.muli %mul3A_409, %mul3A_410 : i32
        %add3A_412 = arith.addi %add3A_87, %mul3A_411 : i32
        %dma_wait3A_413 = arith.constant 0 : i32
        %dma_wait3A_414 = tpu.memref_slice %arg15[%dma_wait3A_413] : memref<16384xf32, #tpu.memory_space<vmem>> -> memref<4096xf32, #tpu.memory_space<vmem>>
        %dma_wait3A_415 = tpu.memref_slice %arg6[%add3A_412] : memref<17170432xf32, #tpu.memory_space<hbm>> -> memref<4096xf32, #tpu.memory_space<hbm>>
        %dma_wait3A_416 = tpu.memref_slice %arg6[%add3A_412] : memref<17170432xf32, #tpu.memory_space<hbm>> -> memref<4096xf32, #tpu.memory_space<hbm>>
        %dma_wait3A_417 = arith.constant 0 : i32
        %dma_wait3A_418 = tpu.memref_slice %arg15[%dma_wait3A_417] : memref<16384xf32, #tpu.memory_space<vmem>> -> memref<4096xf32, #tpu.memory_space<vmem>>
        tpu.wait_dma2 semaphore(%arg21 : memref<!tpu.dma_semaphore, #tpu.memory_space<semaphore_mem>>) src(%dma_wait3A_418 : memref<4096xf32, #tpu.memory_space<vmem>>) dst(%dma_wait3A_416 : memref<4096xf32, #tpu.memory_space<hbm>>)
        %sub3A_419 = arith.constant 2 : i32
        %sub3A_420 = arith.subi %mul3A_208, %sub3A_419 : i32
        %mul3A_421 = arith.constant 4 : i32
        %mul3A_422 = arith.muli %sub3A_420, %mul3A_421 : i32
        %add3A_423 = arith.constant 3 : i32
        %add3A_424 = arith.addi %add3A_423, %mul3A_422 : i32
        %add3A_425 = arith.constant 1 : i32
        %add3A_426 = arith.addi %add3A_424, %add3A_425 : i32
        %mul3A_427 = arith.constant 1024 : i32
        %mul3A_428 = arith.muli %add3A_426, %mul3A_427 : i32
        %mul3A_429 = arith.constant 32 : i32
        %mul3A_430 = arith.muli %mul3A_428, %mul3A_429 : i32
        %add3A_431 = arith.addi %add3A_87, %mul3A_430 : i32
        %dma_wait3A_432 = arith.constant 4096 : i32
        %dma_wait3A_433 = tpu.memref_slice %arg15[%dma_wait3A_432] : memref<16384xf32, #tpu.memory_space<vmem>> -> memref<4096xf32, #tpu.memory_space<vmem>>
        %dma_wait3A_434 = tpu.memref_slice %arg6[%add3A_431] : memref<17170432xf32, #tpu.memory_space<hbm>> -> memref<4096xf32, #tpu.memory_space<hbm>>
        %dma_wait3A_435 = tpu.memref_slice %arg6[%add3A_431] : memref<17170432xf32, #tpu.memory_space<hbm>> -> memref<4096xf32, #tpu.memory_space<hbm>>
        %dma_wait3A_436 = arith.constant 4096 : i32
        %dma_wait3A_437 = tpu.memref_slice %arg15[%dma_wait3A_436] : memref<16384xf32, #tpu.memory_space<vmem>> -> memref<4096xf32, #tpu.memory_space<vmem>>
        tpu.wait_dma2 semaphore(%arg21 : memref<!tpu.dma_semaphore, #tpu.memory_space<semaphore_mem>>) src(%dma_wait3A_437 : memref<4096xf32, #tpu.memory_space<vmem>>) dst(%dma_wait3A_435 : memref<4096xf32, #tpu.memory_space<hbm>>)
        %sub3A_438 = arith.constant 2 : i32
        %sub3A_439 = arith.subi %mul3A_208, %sub3A_438 : i32
        %mul3A_440 = arith.constant 4 : i32
        %mul3A_441 = arith.muli %sub3A_439, %mul3A_440 : i32
        %add3A_442 = arith.constant 3 : i32
        %add3A_443 = arith.addi %add3A_442, %mul3A_441 : i32
        %add3A_444 = arith.constant 2 : i32
        %add3A_445 = arith.addi %add3A_443, %add3A_444 : i32
        %mul3A_446 = arith.constant 1024 : i32
        %mul3A_447 = arith.muli %add3A_445, %mul3A_446 : i32
        %mul3A_448 = arith.constant 32 : i32
        %mul3A_449 = arith.muli %mul3A_447, %mul3A_448 : i32
        %add3A_450 = arith.addi %add3A_87, %mul3A_449 : i32
        %dma_wait3A_451 = arith.constant 8192 : i32
        %dma_wait3A_452 = tpu.memref_slice %arg15[%dma_wait3A_451] : memref<16384xf32, #tpu.memory_space<vmem>> -> memref<4096xf32, #tpu.memory_space<vmem>>
        %dma_wait3A_453 = tpu.memref_slice %arg6[%add3A_450] : memref<17170432xf32, #tpu.memory_space<hbm>> -> memref<4096xf32, #tpu.memory_space<hbm>>
        %dma_wait3A_454 = tpu.memref_slice %arg6[%add3A_450] : memref<17170432xf32, #tpu.memory_space<hbm>> -> memref<4096xf32, #tpu.memory_space<hbm>>
        %dma_wait3A_455 = arith.constant 8192 : i32
        %dma_wait3A_456 = tpu.memref_slice %arg15[%dma_wait3A_455] : memref<16384xf32, #tpu.memory_space<vmem>> -> memref<4096xf32, #tpu.memory_space<vmem>>
        tpu.wait_dma2 semaphore(%arg21 : memref<!tpu.dma_semaphore, #tpu.memory_space<semaphore_mem>>) src(%dma_wait3A_456 : memref<4096xf32, #tpu.memory_space<vmem>>) dst(%dma_wait3A_454 : memref<4096xf32, #tpu.memory_space<hbm>>)
        %sub3A_457 = arith.constant 2 : i32
        %sub3A_458 = arith.subi %mul3A_208, %sub3A_457 : i32
        %mul3A_459 = arith.constant 4 : i32
        %mul3A_460 = arith.muli %sub3A_458, %mul3A_459 : i32
        %add3A_461 = arith.constant 3 : i32
        %add3A_462 = arith.addi %add3A_461, %mul3A_460 : i32
        %add3A_463 = arith.constant 3 : i32
        %add3A_464 = arith.addi %add3A_462, %add3A_463 : i32
        %mul3A_465 = arith.constant 1024 : i32
        %mul3A_466 = arith.muli %add3A_464, %mul3A_465 : i32
        %mul3A_467 = arith.constant 32 : i32
        %mul3A_468 = arith.muli %mul3A_466, %mul3A_467 : i32
        %add3A_469 = arith.addi %add3A_87, %mul3A_468 : i32
        %dma_wait3A_470 = arith.constant 12288 : i32
        %dma_wait3A_471 = tpu.memref_slice %arg15[%dma_wait3A_470] : memref<16384xf32, #tpu.memory_space<vmem>> -> memref<4096xf32, #tpu.memory_space<vmem>>
        %dma_wait3A_472 = tpu.memref_slice %arg6[%add3A_469] : memref<17170432xf32, #tpu.memory_space<hbm>> -> memref<4096xf32, #tpu.memory_space<hbm>>
        %dma_wait3A_473 = tpu.memref_slice %arg6[%add3A_469] : memref<17170432xf32, #tpu.memory_space<hbm>> -> memref<4096xf32, #tpu.memory_space<hbm>>
        %dma_wait3A_474 = arith.constant 12288 : i32
        %dma_wait3A_475 = tpu.memref_slice %arg15[%dma_wait3A_474] : memref<16384xf32, #tpu.memory_space<vmem>> -> memref<4096xf32, #tpu.memory_space<vmem>>
        tpu.wait_dma2 semaphore(%arg21 : memref<!tpu.dma_semaphore, #tpu.memory_space<semaphore_mem>>) src(%dma_wait3A_475 : memref<4096xf32, #tpu.memory_space<vmem>>) dst(%dma_wait3A_473 : memref<4096xf32, #tpu.memory_space<hbm>>)
      } else {
      }
      %scan3A_220 = arith.constant 0 : i32
      %scan3A_221 = arith.constant 0 : i32
      %scan3A_222 = arith.constant 128 : i32
      %scan3A_223 = arith.addi %scan3A_221, %scan3A_222 : i32
      %scan3A_224 = arith.constant 1 : i32
      %scan3A_225 = scf.for %scan3A_400 = %scan3A_221 to %scan3A_223 step %scan3A_224 iter_args(%scan3A_401 = %scan3A_220) -> (i32)  : i32 {
        %mul3A_402 = arith.constant 48 : i32
        %mul3A_403 = arith.muli %scan3A_400, %mul3A_402 : i32
        %add3A_404 = arith.constant 0 : i32
        %add3A_405 = arith.addi %mul3A_403, %add3A_404 : i32
        %get3A = arith.index_cast %add3A_405 : i32 to index
        %get3A_406 = tpu.vector_load %arg8[%get3A] {strides = array<i32>} : memref<6144xi32, #tpu.memory_space<vmem>>, vector<16xi32>,
        %mul3A_407 = arith.constant 32 : i32
        %mul3A_408 = arith.muli %scan3A_400, %mul3A_407 : i32
        %add3A_409 = arith.constant 0 : i32
        %add3A_410 = arith.addi %mul3A_408, %add3A_409 : i32
        %add3A_411 = arith.constant 0 : i32
        %add3A_412 = vector.broadcast %add3A_411 : i32 to vector<16xi32>
        %add3A_413 = arith.addi %get3A_406, %add3A_412 : vector<16xi32>
        %gather3A = tpu.vector_load_idx %arg14[%add3A_413] : memref<32768xf32, #tpu.memory_space<vmem>>[vector<16xi32>], vector<16xf32>,
        %add3A_414 = arith.constant 0 : i32
        %add3A_415 = arith.addi %add3A_414, %add3A_410 : i32
        %swap3A = arith.index_cast %add3A_415 : i32 to index
        %swap3A_416 = tpu.vector_load %arg15[%swap3A] {strides = array<i32>} : memref<16384xf32, #tpu.memory_space<vmem>>, vector<16xf32>,
        tpu.vector_store %arg15[%swap3A], %gather3A {strides = array<i32>} : memref<16384xf32, #tpu.memory_space<vmem>>, vector<16xf32>,
        %add3A_417 = arith.constant 8192 : i32
        %add3A_418 = vector.broadcast %add3A_417 : i32 to vector<16xi32>
        %add3A_419 = arith.addi %get3A_406, %add3A_418 : vector<16xi32>
        %gather3A_420 = tpu.vector_load_idx %arg14[%add3A_419] : memref<32768xf32, #tpu.memory_space<vmem>>[vector<16xi32>], vector<16xf32>,
        %add3A_421 = arith.constant 4096 : i32
        %add3A_422 = arith.addi %add3A_421, %add3A_410 : i32
        %swap3A_423 = arith.index_cast %add3A_422 : i32 to index
        %swap3A_424 = tpu.vector_load %arg15[%swap3A_423] {strides = array<i32>} : memref<16384xf32, #tpu.memory_space<vmem>>, vector<16xf32>,
        tpu.vector_store %arg15[%swap3A_423], %gather3A_420 {strides = array<i32>} : memref<16384xf32, #tpu.memory_space<vmem>>, vector<16xf32>,
        %add3A_425 = arith.constant 16384 : i32
        %add3A_426 = vector.broadcast %add3A_425 : i32 to vector<16xi32>
        %add3A_427 = arith.addi %get3A_406, %add3A_426 : vector<16xi32>
        %gather3A_428 = tpu.vector_load_idx %arg14[%add3A_427] : memref<32768xf32, #tpu.memory_space<vmem>>[vector<16xi32>], vector<16xf32>,
        %add3A_429 = arith.constant 8192 : i32
        %add3A_430 = arith.addi %add3A_429, %add3A_410 : i32
        %swap3A_431 = arith.index_cast %add3A_430 : i32 to index
        %swap3A_432 = tpu.vector_load %arg15[%swap3A_431] {strides = array<i32>} : memref<16384xf32, #tpu.memory_space<vmem>>, vector<16xf32>,
        tpu.vector_store %arg15[%swap3A_431], %gather3A_428 {strides = array<i32>} : memref<16384xf32, #tpu.memory_space<vmem>>, vector<16xf32>,
        %add3A_433 = arith.constant 24576 : i32
        %add3A_434 = vector.broadcast %add3A_433 : i32 to vector<16xi32>
        %add3A_435 = arith.addi %get3A_406, %add3A_434 : vector<16xi32>
        %gather3A_436 = tpu.vector_load_idx %arg14[%add3A_435] : memref<32768xf32, #tpu.memory_space<vmem>>[vector<16xi32>], vector<16xf32>,
        %add3A_437 = arith.constant 12288 : i32
        %add3A_438 = arith.addi %add3A_437, %add3A_410 : i32
        %swap3A_439 = arith.index_cast %add3A_438 : i32 to index
        %swap3A_440 = tpu.vector_load %arg15[%swap3A_439] {strides = array<i32>} : memref<16384xf32, #tpu.memory_space<vmem>>, vector<16xf32>,
        tpu.vector_store %arg15[%swap3A_439], %gather3A_436 {strides = array<i32>} : memref<16384xf32, #tpu.memory_space<vmem>>, vector<16xf32>,
        %mul3A_441 = arith.constant 48 : i32
        %mul3A_442 = arith.muli %scan3A_400, %mul3A_441 : i32
        %add3A_443 = arith.constant 16 : i32
        %add3A_444 = arith.addi %mul3A_442, %add3A_443 : i32
        %get3A_445 = arith.index_cast %add3A_444 : i32 to index
        %get3A_446 = tpu.vector_load %arg8[%get3A_445] {strides = array<i32>} : memref<6144xi32, #tpu.memory_space<vmem>>, vector<16xi32>,
        %mul3A_447 = arith.constant 32 : i32
        %mul3A_448 = arith.muli %scan3A_400, %mul3A_447 : i32
        %add3A_449 = arith.constant 16 : i32
        %add3A_450 = arith.addi %mul3A_448, %add3A_449 : i32
        %add3A_451 = arith.constant 0 : i32
        %add3A_452 = vector.broadcast %add3A_451 : i32 to vector<16xi32>
        %add3A_453 = arith.addi %get3A_446, %add3A_452 : vector<16xi32>
        %gather3A_454 = tpu.vector_load_idx %arg14[%add3A_453] : memref<32768xf32, #tpu.memory_space<vmem>>[vector<16xi32>], vector<16xf32>,
        %add3A_455 = arith.constant 0 : i32
        %add3A_456 = arith.addi %add3A_455, %add3A_450 : i32
        %swap3A_457 = arith.index_cast %add3A_456 : i32 to index
        %swap3A_458 = tpu.vector_load %arg15[%swap3A_457] {strides = array<i32>} : memref<16384xf32, #tpu.memory_space<vmem>>, vector<16xf32>,
        tpu.vector_store %arg15[%swap3A_457], %gather3A_454 {strides = array<i32>} : memref<16384xf32, #tpu.memory_space<vmem>>, vector<16xf32>,
        %add3A_459 = arith.constant 8192 : i32
        %add3A_460 = vector.broadcast %add3A_459 : i32 to vector<16xi32>
        %add3A_461 = arith.addi %get3A_446, %add3A_460 : vector<16xi32>
        %gather3A_462 = tpu.vector_load_idx %arg14[%add3A_461] : memref<32768xf32, #tpu.memory_space<vmem>>[vector<16xi32>], vector<16xf32>,
        %add3A_463 = arith.constant 4096 : i32
        %add3A_464 = arith.addi %add3A_463, %add3A_450 : i32
        %swap3A_465 = arith.index_cast %add3A_464 : i32 to index
        %swap3A_466 = tpu.vector_load %arg15[%swap3A_465] {strides = array<i32>} : memref<16384xf32, #tpu.memory_space<vmem>>, vector<16xf32>,
        tpu.vector_store %arg15[%swap3A_465], %gather3A_462 {strides = array<i32>} : memref<16384xf32, #tpu.memory_space<vmem>>, vector<16xf32>,
        %add3A_467 = arith.constant 16384 : i32
        %add3A_468 = vector.broadcast %add3A_467 : i32 to vector<16xi32>
        %add3A_469 = arith.addi %get3A_446, %add3A_468 : vector<16xi32>
        %gather3A_470 = tpu.vector_load_idx %arg14[%add3A_469] : memref<32768xf32, #tpu.memory_space<vmem>>[vector<16xi32>], vector<16xf32>,
        %add3A_471 = arith.constant 8192 : i32
        %add3A_472 = arith.addi %add3A_471, %add3A_450 : i32
        %swap3A_473 = arith.index_cast %add3A_472 : i32 to index
        %swap3A_474 = tpu.vector_load %arg15[%swap3A_473] {strides = array<i32>} : memref<16384xf32, #tpu.memory_space<vmem>>, vector<16xf32>,
        tpu.vector_store %arg15[%swap3A_473], %gather3A_470 {strides = array<i32>} : memref<16384xf32, #tpu.memory_space<vmem>>, vector<16xf32>,
        %add3A_475 = arith.constant 24576 : i32
        %add3A_476 = vector.broadcast %add3A_475 : i32 to vector<16xi32>
        %add3A_477 = arith.addi %get3A_446, %add3A_476 : vector<16xi32>
        %gather3A_478 = tpu.vector_load_idx %arg14[%add3A_477] : memref<32768xf32, #tpu.memory_space<vmem>>[vector<16xi32>], vector<16xf32>,
        %add3A_479 = arith.constant 12288 : i32
        %add3A_480 = arith.addi %add3A_479, %add3A_450 : i32
        %swap3A_481 = arith.index_cast %add3A_480 : i32 to index
        %swap3A_482 = tpu.vector_load %arg15[%swap3A_481] {strides = array<i32>} : memref<16384xf32, #tpu.memory_space<vmem>>, vector<16xf32>,
        tpu.vector_store %arg15[%swap3A_481], %gather3A_478 {strides = array<i32>} : memref<16384xf32, #tpu.memory_space<vmem>>, vector<16xf32>,
        %scan3A_483 = arith.constant 0 : i32
        scf.yield %scan3A_483 : i32
      }
      %scan3A_226 = arith.constant 128 : i32
      %lt3A_227 = arith.constant 15 : i32
      %lt3A_228 = arith.cmpi slt, %scan3A_205, %lt3A_227 : i32
      %convert_element_type3A_229 = arith.extui %lt3A_228 : i1 to i32
      %cond3A_230 = arith.constant 0 : i32
      %cond3A_231 = arith.cmpi ne, %convert_element_type3A_229, %cond3A_230 : i32
      scf.if %cond3A_231 {
        %add3A_400 = arith.constant 2 : i32
        %add3A_401 = arith.addi %mul3A_208, %add3A_400 : i32
        %mul3A_402 = arith.constant 128 : i32
        %mul3A_403 = arith.muli %select_n3A, %mul3A_402 : i32
        %mul3A_404 = arith.constant 4 : i32
        %mul3A_405 = arith.muli %add3A_401, %mul3A_404 : i32
        %add3A_406 = arith.addi %mul3A_403, %mul3A_405 : i32
        %mul3A_407 = arith.constant 8192 : i32
        %mul3A_408 = arith.muli %add3A_406, %mul3A_407 : i32
        %dma_start3A_409 = tpu.memref_slice %arg5[%mul3A_408] : memref<4194304xf32, #tpu.memory_space<hbm>> -> memref<32768xf32, #tpu.memory_space<hbm>>
        %dma_start3A_410 = tpu.memref_slice %arg5[%mul3A_408] : memref<4194304xf32, #tpu.memory_space<hbm>> -> memref<32768xf32, #tpu.memory_space<hbm>>
        tpu.enqueue_dma source(%dma_start3A_410 : memref<32768xf32, #tpu.memory_space<hbm>>) target(%arg14 : memref<32768xf32, #tpu.memory_space<vmem>>) target_semaphore(%arg20 : memref<!tpu.dma_semaphore, #tpu.memory_space<semaphore_mem>>)
      } else {
      }
      %mul3A_232 = arith.constant 4 : i32
      %mul3A_233 = arith.muli %mul3A_208, %mul3A_232 : i32
      %add3A_234 = arith.constant 3 : i32
      %add3A_235 = arith.addi %add3A_234, %mul3A_233 : i32
      %add3A_236 = arith.constant 0 : i32
      %add3A_237 = arith.addi %add3A_235, %add3A_236 : i32
      %mul3A_238 = arith.constant 1024 : i32
      %mul3A_239 = arith.muli %add3A_237, %mul3A_238 : i32
      %mul3A_240 = arith.constant 32 : i32
      %mul3A_241 = arith.muli %mul3A_239, %mul3A_240 : i32
      %add3A_242 = arith.addi %add3A_87, %mul3A_241 : i32
      %dma_start3A_243 = arith.constant 0 : i32
      %dma_start3A_244 = tpu.memref_slice %arg15[%dma_start3A_243] : memref<16384xf32, #tpu.memory_space<vmem>> -> memref<4096xf32, #tpu.memory_space<vmem>>
      %dma_start3A_245 = tpu.memref_slice %arg6[%add3A_242] : memref<17170432xf32, #tpu.memory_space<hbm>> -> memref<4096xf32, #tpu.memory_space<hbm>>
      %dma_start3A_246 = tpu.memref_slice %arg6[%add3A_242] : memref<17170432xf32, #tpu.memory_space<hbm>> -> memref<4096xf32, #tpu.memory_space<hbm>>
      %dma_start3A_247 = arith.constant 0 : i32
      %dma_start3A_248 = tpu.memref_slice %arg15[%dma_start3A_247] : memref<16384xf32, #tpu.memory_space<vmem>> -> memref<4096xf32, #tpu.memory_space<vmem>>
      tpu.enqueue_dma source(%dma_start3A_248 : memref<4096xf32, #tpu.memory_space<vmem>>) target(%dma_start3A_246 : memref<4096xf32, #tpu.memory_space<hbm>>) target_semaphore(%arg21 : memref<!tpu.dma_semaphore, #tpu.memory_space<semaphore_mem>>)
      %mul3A_249 = arith.constant 4 : i32
      %mul3A_250 = arith.muli %mul3A_208, %mul3A_249 : i32
      %add3A_251 = arith.constant 3 : i32
      %add3A_252 = arith.addi %add3A_251, %mul3A_250 : i32
      %add3A_253 = arith.constant 1 : i32
      %add3A_254 = arith.addi %add3A_252, %add3A_253 : i32
      %mul3A_255 = arith.constant 1024 : i32
      %mul3A_256 = arith.muli %add3A_254, %mul3A_255 : i32
      %mul3A_257 = arith.constant 32 : i32
      %mul3A_258 = arith.muli %mul3A_256, %mul3A_257 : i32
      %add3A_259 = arith.addi %add3A_87, %mul3A_258 : i32
      %dma_start3A_260 = arith.constant 4096 : i32
      %dma_start3A_261 = tpu.memref_slice %arg15[%dma_start3A_260] : memref<16384xf32, #tpu.memory_space<vmem>> -> memref<4096xf32, #tpu.memory_space<vmem>>
      %dma_start3A_262 = tpu.memref_slice %arg6[%add3A_259] : memref<17170432xf32, #tpu.memory_space<hbm>> -> memref<4096xf32, #tpu.memory_space<hbm>>
      %dma_start3A_263 = tpu.memref_slice %arg6[%add3A_259] : memref<17170432xf32, #tpu.memory_space<hbm>> -> memref<4096xf32, #tpu.memory_space<hbm>>
      %dma_start3A_264 = arith.constant 4096 : i32
      %dma_start3A_265 = tpu.memref_slice %arg15[%dma_start3A_264] : memref<16384xf32, #tpu.memory_space<vmem>> -> memref<4096xf32, #tpu.memory_space<vmem>>
      tpu.enqueue_dma source(%dma_start3A_265 : memref<4096xf32, #tpu.memory_space<vmem>>) target(%dma_start3A_263 : memref<4096xf32, #tpu.memory_space<hbm>>) target_semaphore(%arg21 : memref<!tpu.dma_semaphore, #tpu.memory_space<semaphore_mem>>)
      %mul3A_266 = arith.constant 4 : i32
      %mul3A_267 = arith.muli %mul3A_208, %mul3A_266 : i32
      %add3A_268 = arith.constant 3 : i32
      %add3A_269 = arith.addi %add3A_268, %mul3A_267 : i32
      %add3A_270 = arith.constant 2 : i32
      %add3A_271 = arith.addi %add3A_269, %add3A_270 : i32
      %mul3A_272 = arith.constant 1024 : i32
      %mul3A_273 = arith.muli %add3A_271, %mul3A_272 : i32
      %mul3A_274 = arith.constant 32 : i32
      %mul3A_275 = arith.muli %mul3A_273, %mul3A_274 : i32
      %add3A_276 = arith.addi %add3A_87, %mul3A_275 : i32
      %dma_start3A_277 = arith.constant 8192 : i32
      %dma_start3A_278 = tpu.memref_slice %arg15[%dma_start3A_277] : memref<16384xf32, #tpu.memory_space<vmem>> -> memref<4096xf32, #tpu.memory_space<vmem>>
      %dma_start3A_279 = tpu.memref_slice %arg6[%add3A_276] : memref<17170432xf32, #tpu.memory_space<hbm>> -> memref<4096xf32, #tpu.memory_space<hbm>>
      %dma_start3A_280 = tpu.memref_slice %arg6[%add3A_276] : memref<17170432xf32, #tpu.memory_space<hbm>> -> memref<4096xf32, #tpu.memory_space<hbm>>
      %dma_start3A_281 = arith.constant 8192 : i32
      %dma_start3A_282 = tpu.memref_slice %arg15[%dma_start3A_281] : memref<16384xf32, #tpu.memory_space<vmem>> -> memref<4096xf32, #tpu.memory_space<vmem>>
      tpu.enqueue_dma source(%dma_start3A_282 : memref<4096xf32, #tpu.memory_space<vmem>>) target(%dma_start3A_280 : memref<4096xf32, #tpu.memory_space<hbm>>) target_semaphore(%arg21 : memref<!tpu.dma_semaphore, #tpu.memory_space<semaphore_mem>>)
      %mul3A_283 = arith.constant 4 : i32
      %mul3A_284 = arith.muli %mul3A_208, %mul3A_283 : i32
      %add3A_285 = arith.constant 3 : i32
      %add3A_286 = arith.addi %add3A_285, %mul3A_284 : i32
      %add3A_287 = arith.constant 3 : i32
      %add3A_288 = arith.addi %add3A_286, %add3A_287 : i32
      %mul3A_289 = arith.constant 1024 : i32
      %mul3A_290 = arith.muli %add3A_288, %mul3A_289 : i32
      %mul3A_291 = arith.constant 32 : i32
      %mul3A_292 = arith.muli %mul3A_290, %mul3A_291 : i32
      %add3A_293 = arith.addi %add3A_87, %mul3A_292 : i32
      %dma_start3A_294 = arith.constant 12288 : i32
      %dma_start3A_295 = tpu.memref_slice %arg15[%dma_start3A_294] : memref<16384xf32, #tpu.memory_space<vmem>> -> memref<4096xf32, #tpu.memory_space<vmem>>
      %dma_start3A_296 = tpu.memref_slice %arg6[%add3A_293] : memref<17170432xf32, #tpu.memory_space<hbm>> -> memref<4096xf32, #tpu.memory_space<hbm>>
      %dma_start3A_297 = tpu.memref_slice %arg6[%add3A_293] : memref<17170432xf32, #tpu.memory_space<hbm>> -> memref<4096xf32, #tpu.memory_space<hbm>>
      %dma_start3A_298 = arith.constant 12288 : i32
      %dma_start3A_299 = tpu.memref_slice %arg15[%dma_start3A_298] : memref<16384xf32, #tpu.memory_space<vmem>> -> memref<4096xf32, #tpu.memory_space<vmem>>
      tpu.enqueue_dma source(%dma_start3A_299 : memref<4096xf32, #tpu.memory_space<vmem>>) target(%dma_start3A_297 : memref<4096xf32, #tpu.memory_space<hbm>>) target_semaphore(%arg21 : memref<!tpu.dma_semaphore, #tpu.memory_space<semaphore_mem>>)
      %dma_wait3A_300 = arith.constant 0 : i32
      %dma_wait3A_301 = tpu.memref_slice %arg5[%dma_wait3A_300] : memref<4194304xf32, #tpu.memory_space<hbm>> -> memref<32768xf32, #tpu.memory_space<hbm>>
      %dma_wait3A_302 = arith.constant 0 : i32
      %dma_wait3A_303 = tpu.memref_slice %arg5[%dma_wait3A_302] : memref<4194304xf32, #tpu.memory_space<hbm>> -> memref<32768xf32, #tpu.memory_space<hbm>>
      tpu.wait_dma2 semaphore(%arg19 : memref<!tpu.dma_semaphore, #tpu.memory_space<semaphore_mem>>) src(%dma_wait3A_303 : memref<32768xf32, #tpu.memory_space<hbm>>) dst(%arg13 : memref<32768xf32, #tpu.memory_space<vmem>>)
      %gt3A_304 = arith.constant 0 : i32
      %gt3A_305 = arith.cmpi sgt, %scan3A_205, %gt3A_304 : i32
      %convert_element_type3A_306 = arith.extui %gt3A_305 : i1 to i32
      %cond3A_307 = arith.constant 0 : i32
      %cond3A_308 = arith.cmpi ne, %convert_element_type3A_306, %cond3A_307 : i32
      scf.if %cond3A_308 {
        %sub3A_400 = arith.constant 1 : i32
        %sub3A_401 = arith.subi %mul3A_208, %sub3A_400 : i32
        %mul3A_402 = arith.constant 4 : i32
        %mul3A_403 = arith.muli %sub3A_401, %mul3A_402 : i32
        %add3A_404 = arith.constant 3 : i32
        %add3A_405 = arith.addi %add3A_404, %mul3A_403 : i32
        %add3A_406 = arith.constant 0 : i32
        %add3A_407 = arith.addi %add3A_405, %add3A_406 : i32
        %mul3A_408 = arith.constant 1024 : i32
        %mul3A_409 = arith.muli %add3A_407, %mul3A_408 : i32
        %mul3A_410 = arith.constant 32 : i32
        %mul3A_411 = arith.muli %mul3A_409, %mul3A_410 : i32
        %add3A_412 = arith.addi %add3A_87, %mul3A_411 : i32
        %dma_wait3A_413 = arith.constant 0 : i32
        %dma_wait3A_414 = tpu.memref_slice %arg16[%dma_wait3A_413] : memref<16384xf32, #tpu.memory_space<vmem>> -> memref<4096xf32, #tpu.memory_space<vmem>>
        %dma_wait3A_415 = tpu.memref_slice %arg6[%add3A_412] : memref<17170432xf32, #tpu.memory_space<hbm>> -> memref<4096xf32, #tpu.memory_space<hbm>>
        %dma_wait3A_416 = tpu.memref_slice %arg6[%add3A_412] : memref<17170432xf32, #tpu.memory_space<hbm>> -> memref<4096xf32, #tpu.memory_space<hbm>>
        %dma_wait3A_417 = arith.constant 0 : i32
        %dma_wait3A_418 = tpu.memref_slice %arg16[%dma_wait3A_417] : memref<16384xf32, #tpu.memory_space<vmem>> -> memref<4096xf32, #tpu.memory_space<vmem>>
        tpu.wait_dma2 semaphore(%arg22 : memref<!tpu.dma_semaphore, #tpu.memory_space<semaphore_mem>>) src(%dma_wait3A_418 : memref<4096xf32, #tpu.memory_space<vmem>>) dst(%dma_wait3A_416 : memref<4096xf32, #tpu.memory_space<hbm>>)
        %sub3A_419 = arith.constant 1 : i32
        %sub3A_420 = arith.subi %mul3A_208, %sub3A_419 : i32
        %mul3A_421 = arith.constant 4 : i32
        %mul3A_422 = arith.muli %sub3A_420, %mul3A_421 : i32
        %add3A_423 = arith.constant 3 : i32
        %add3A_424 = arith.addi %add3A_423, %mul3A_422 : i32
        %add3A_425 = arith.constant 1 : i32
        %add3A_426 = arith.addi %add3A_424, %add3A_425 : i32
        %mul3A_427 = arith.constant 1024 : i32
        %mul3A_428 = arith.muli %add3A_426, %mul3A_427 : i32
        %mul3A_429 = arith.constant 32 : i32
        %mul3A_430 = arith.muli %mul3A_428, %mul3A_429 : i32
        %add3A_431 = arith.addi %add3A_87, %mul3A_430 : i32
        %dma_wait3A_432 = arith.constant 4096 : i32
        %dma_wait3A_433 = tpu.memref_slice %arg16[%dma_wait3A_432] : memref<16384xf32, #tpu.memory_space<vmem>> -> memref<4096xf32, #tpu.memory_space<vmem>>
        %dma_wait3A_434 = tpu.memref_slice %arg6[%add3A_431] : memref<17170432xf32, #tpu.memory_space<hbm>> -> memref<4096xf32, #tpu.memory_space<hbm>>
        %dma_wait3A_435 = tpu.memref_slice %arg6[%add3A_431] : memref<17170432xf32, #tpu.memory_space<hbm>> -> memref<4096xf32, #tpu.memory_space<hbm>>
        %dma_wait3A_436 = arith.constant 4096 : i32
        %dma_wait3A_437 = tpu.memref_slice %arg16[%dma_wait3A_436] : memref<16384xf32, #tpu.memory_space<vmem>> -> memref<4096xf32, #tpu.memory_space<vmem>>
        tpu.wait_dma2 semaphore(%arg22 : memref<!tpu.dma_semaphore, #tpu.memory_space<semaphore_mem>>) src(%dma_wait3A_437 : memref<4096xf32, #tpu.memory_space<vmem>>) dst(%dma_wait3A_435 : memref<4096xf32, #tpu.memory_space<hbm>>)
        %sub3A_438 = arith.constant 1 : i32
        %sub3A_439 = arith.subi %mul3A_208, %sub3A_438 : i32
        %mul3A_440 = arith.constant 4 : i32
        %mul3A_441 = arith.muli %sub3A_439, %mul3A_440 : i32
        %add3A_442 = arith.constant 3 : i32
        %add3A_443 = arith.addi %add3A_442, %mul3A_441 : i32
        %add3A_444 = arith.constant 2 : i32
        %add3A_445 = arith.addi %add3A_443, %add3A_444 : i32
        %mul3A_446 = arith.constant 1024 : i32
        %mul3A_447 = arith.muli %add3A_445, %mul3A_446 : i32
        %mul3A_448 = arith.constant 32 : i32
        %mul3A_449 = arith.muli %mul3A_447, %mul3A_448 : i32
        %add3A_450 = arith.addi %add3A_87, %mul3A_449 : i32
        %dma_wait3A_451 = arith.constant 8192 : i32
        %dma_wait3A_452 = tpu.memref_slice %arg16[%dma_wait3A_451] : memref<16384xf32, #tpu.memory_space<vmem>> -> memref<4096xf32, #tpu.memory_space<vmem>>
        %dma_wait3A_453 = tpu.memref_slice %arg6[%add3A_450] : memref<17170432xf32, #tpu.memory_space<hbm>> -> memref<4096xf32, #tpu.memory_space<hbm>>
        %dma_wait3A_454 = tpu.memref_slice %arg6[%add3A_450] : memref<17170432xf32, #tpu.memory_space<hbm>> -> memref<4096xf32, #tpu.memory_space<hbm>>
        %dma_wait3A_455 = arith.constant 8192 : i32
        %dma_wait3A_456 = tpu.memref_slice %arg16[%dma_wait3A_455] : memref<16384xf32, #tpu.memory_space<vmem>> -> memref<4096xf32, #tpu.memory_space<vmem>>
        tpu.wait_dma2 semaphore(%arg22 : memref<!tpu.dma_semaphore, #tpu.memory_space<semaphore_mem>>) src(%dma_wait3A_456 : memref<4096xf32, #tpu.memory_space<vmem>>) dst(%dma_wait3A_454 : memref<4096xf32, #tpu.memory_space<hbm>>)
        %sub3A_457 = arith.constant 1 : i32
        %sub3A_458 = arith.subi %mul3A_208, %sub3A_457 : i32
        %mul3A_459 = arith.constant 4 : i32
        %mul3A_460 = arith.muli %sub3A_458, %mul3A_459 : i32
        %add3A_461 = arith.constant 3 : i32
        %add3A_462 = arith.addi %add3A_461, %mul3A_460 : i32
        %add3A_463 = arith.constant 3 : i32
        %add3A_464 = arith.addi %add3A_462, %add3A_463 : i32
        %mul3A_465 = arith.constant 1024 : i32
        %mul3A_466 = arith.muli %add3A_464, %mul3A_465 : i32
        %mul3A_467 = arith.constant 32 : i32
        %mul3A_468 = arith.muli %mul3A_466, %mul3A_467 : i32
        %add3A_469 = arith.addi %add3A_87, %mul3A_468 : i32
        %dma_wait3A_470 = arith.constant 12288 : i32
        %dma_wait3A_471 = tpu.memref_slice %arg16[%dma_wait3A_470] : memref<16384xf32, #tpu.memory_space<vmem>> -> memref<4096xf32, #tpu.memory_space<vmem>>
        %dma_wait3A_472 = tpu.memref_slice %arg6[%add3A_469] : memref<17170432xf32, #tpu.memory_space<hbm>> -> memref<4096xf32, #tpu.memory_space<hbm>>
        %dma_wait3A_473 = tpu.memref_slice %arg6[%add3A_469] : memref<17170432xf32, #tpu.memory_space<hbm>> -> memref<4096xf32, #tpu.memory_space<hbm>>
        %dma_wait3A_474 = arith.constant 12288 : i32
        %dma_wait3A_475 = tpu.memref_slice %arg16[%dma_wait3A_474] : memref<16384xf32, #tpu.memory_space<vmem>> -> memref<4096xf32, #tpu.memory_space<vmem>>
        tpu.wait_dma2 semaphore(%arg22 : memref<!tpu.dma_semaphore, #tpu.memory_space<semaphore_mem>>) src(%dma_wait3A_475 : memref<4096xf32, #tpu.memory_space<vmem>>) dst(%dma_wait3A_473 : memref<4096xf32, #tpu.memory_space<hbm>>)
      } else {
      }
      %add3A_309 = arith.constant 1 : i32
      %add3A_310 = arith.addi %mul3A_208, %add3A_309 : i32
      %scan3A_311 = arith.constant 0 : i32
      %scan3A_312 = arith.constant 0 : i32
      %scan3A_313 = arith.constant 128 : i32
      %scan3A_314 = arith.addi %scan3A_312, %scan3A_313 : i32
      %scan3A_315 = arith.constant 1 : i32
      %scan3A_316 = scf.for %scan3A_400 = %scan3A_312 to %scan3A_314 step %scan3A_315 iter_args(%scan3A_401 = %scan3A_311) -> (i32)  : i32 {
        %mul3A_402 = arith.constant 48 : i32
        %mul3A_403 = arith.muli %scan3A_400, %mul3A_402 : i32
        %add3A_404 = arith.constant 0 : i32
        %add3A_405 = arith.addi %mul3A_403, %add3A_404 : i32
        %get3A = arith.index_cast %add3A_405 : i32 to index
        %get3A_406 = tpu.vector_load %arg8[%get3A] {strides = array<i32>} : memref<6144xi32, #tpu.memory_space<vmem>>, vector<16xi32>,
        %mul3A_407 = arith.constant 32 : i32
        %mul3A_408 = arith.muli %scan3A_400, %mul3A_407 : i32
        %add3A_409 = arith.constant 0 : i32
        %add3A_410 = arith.addi %mul3A_408, %add3A_409 : i32
        %add3A_411 = arith.constant 0 : i32
        %add3A_412 = vector.broadcast %add3A_411 : i32 to vector<16xi32>
        %add3A_413 = arith.addi %get3A_406, %add3A_412 : vector<16xi32>
        %gather3A = tpu.vector_load_idx %arg13[%add3A_413] : memref<32768xf32, #tpu.memory_space<vmem>>[vector<16xi32>], vector<16xf32>,
        %add3A_414 = arith.constant 0 : i32
        %add3A_415 = arith.addi %add3A_414, %add3A_410 : i32
        %swap3A = arith.index_cast %add3A_415 : i32 to index
        %swap3A_416 = tpu.vector_load %arg16[%swap3A] {strides = array<i32>} : memref<16384xf32, #tpu.memory_space<vmem>>, vector<16xf32>,
        tpu.vector_store %arg16[%swap3A], %gather3A {strides = array<i32>} : memref<16384xf32, #tpu.memory_space<vmem>>, vector<16xf32>,
        %add3A_417 = arith.constant 8192 : i32
        %add3A_418 = vector.broadcast %add3A_417 : i32 to vector<16xi32>
        %add3A_419 = arith.addi %get3A_406, %add3A_418 : vector<16xi32>
        %gather3A_420 = tpu.vector_load_idx %arg13[%add3A_419] : memref<32768xf32, #tpu.memory_space<vmem>>[vector<16xi32>], vector<16xf32>,
        %add3A_421 = arith.constant 4096 : i32
        %add3A_422 = arith.addi %add3A_421, %add3A_410 : i32
        %swap3A_423 = arith.index_cast %add3A_422 : i32 to index
        %swap3A_424 = tpu.vector_load %arg16[%swap3A_423] {strides = array<i32>} : memref<16384xf32, #tpu.memory_space<vmem>>, vector<16xf32>,
        tpu.vector_store %arg16[%swap3A_423], %gather3A_420 {strides = array<i32>} : memref<16384xf32, #tpu.memory_space<vmem>>, vector<16xf32>,
        %add3A_425 = arith.constant 16384 : i32
        %add3A_426 = vector.broadcast %add3A_425 : i32 to vector<16xi32>
        %add3A_427 = arith.addi %get3A_406, %add3A_426 : vector<16xi32>
        %gather3A_428 = tpu.vector_load_idx %arg13[%add3A_427] : memref<32768xf32, #tpu.memory_space<vmem>>[vector<16xi32>], vector<16xf32>,
        %add3A_429 = arith.constant 8192 : i32
        %add3A_430 = arith.addi %add3A_429, %add3A_410 : i32
        %swap3A_431 = arith.index_cast %add3A_430 : i32 to index
        %swap3A_432 = tpu.vector_load %arg16[%swap3A_431] {strides = array<i32>} : memref<16384xf32, #tpu.memory_space<vmem>>, vector<16xf32>,
        tpu.vector_store %arg16[%swap3A_431], %gather3A_428 {strides = array<i32>} : memref<16384xf32, #tpu.memory_space<vmem>>, vector<16xf32>,
        %add3A_433 = arith.constant 24576 : i32
        %add3A_434 = vector.broadcast %add3A_433 : i32 to vector<16xi32>
        %add3A_435 = arith.addi %get3A_406, %add3A_434 : vector<16xi32>
        %gather3A_436 = tpu.vector_load_idx %arg13[%add3A_435] : memref<32768xf32, #tpu.memory_space<vmem>>[vector<16xi32>], vector<16xf32>,
        %add3A_437 = arith.constant 12288 : i32
        %add3A_438 = arith.addi %add3A_437, %add3A_410 : i32
        %swap3A_439 = arith.index_cast %add3A_438 : i32 to index
        %swap3A_440 = tpu.vector_load %arg16[%swap3A_439] {strides = array<i32>} : memref<16384xf32, #tpu.memory_space<vmem>>, vector<16xf32>,
        tpu.vector_store %arg16[%swap3A_439], %gather3A_436 {strides = array<i32>} : memref<16384xf32, #tpu.memory_space<vmem>>, vector<16xf32>,
        %mul3A_441 = arith.constant 48 : i32
        %mul3A_442 = arith.muli %scan3A_400, %mul3A_441 : i32
        %add3A_443 = arith.constant 16 : i32
        %add3A_444 = arith.addi %mul3A_442, %add3A_443 : i32
        %get3A_445 = arith.index_cast %add3A_444 : i32 to index
        %get3A_446 = tpu.vector_load %arg8[%get3A_445] {strides = array<i32>} : memref<6144xi32, #tpu.memory_space<vmem>>, vector<16xi32>,
        %mul3A_447 = arith.constant 32 : i32
        %mul3A_448 = arith.muli %scan3A_400, %mul3A_447 : i32
        %add3A_449 = arith.constant 16 : i32
        %add3A_450 = arith.addi %mul3A_448, %add3A_449 : i32
        %add3A_451 = arith.constant 0 : i32
        %add3A_452 = vector.broadcast %add3A_451 : i32 to vector<16xi32>
        %add3A_453 = arith.addi %get3A_446, %add3A_452 : vector<16xi32>
        %gather3A_454 = tpu.vector_load_idx %arg13[%add3A_453] : memref<32768xf32, #tpu.memory_space<vmem>>[vector<16xi32>], vector<16xf32>,
        %add3A_455 = arith.constant 0 : i32
        %add3A_456 = arith.addi %add3A_455, %add3A_450 : i32
        %swap3A_457 = arith.index_cast %add3A_456 : i32 to index
        %swap3A_458 = tpu.vector_load %arg16[%swap3A_457] {strides = array<i32>} : memref<16384xf32, #tpu.memory_space<vmem>>, vector<16xf32>,
        tpu.vector_store %arg16[%swap3A_457], %gather3A_454 {strides = array<i32>} : memref<16384xf32, #tpu.memory_space<vmem>>, vector<16xf32>,
        %add3A_459 = arith.constant 8192 : i32
        %add3A_460 = vector.broadcast %add3A_459 : i32 to vector<16xi32>
        %add3A_461 = arith.addi %get3A_446, %add3A_460 : vector<16xi32>
        %gather3A_462 = tpu.vector_load_idx %arg13[%add3A_461] : memref<32768xf32, #tpu.memory_space<vmem>>[vector<16xi32>], vector<16xf32>,
        %add3A_463 = arith.constant 4096 : i32
        %add3A_464 = arith.addi %add3A_463, %add3A_450 : i32
        %swap3A_465 = arith.index_cast %add3A_464 : i32 to index
        %swap3A_466 = tpu.vector_load %arg16[%swap3A_465] {strides = array<i32>} : memref<16384xf32, #tpu.memory_space<vmem>>, vector<16xf32>,
        tpu.vector_store %arg16[%swap3A_465], %gather3A_462 {strides = array<i32>} : memref<16384xf32, #tpu.memory_space<vmem>>, vector<16xf32>,
        %add3A_467 = arith.constant 16384 : i32
        %add3A_468 = vector.broadcast %add3A_467 : i32 to vector<16xi32>
        %add3A_469 = arith.addi %get3A_446, %add3A_468 : vector<16xi32>
        %gather3A_470 = tpu.vector_load_idx %arg13[%add3A_469] : memref<32768xf32, #tpu.memory_space<vmem>>[vector<16xi32>], vector<16xf32>,
        %add3A_471 = arith.constant 8192 : i32
        %add3A_472 = arith.addi %add3A_471, %add3A_450 : i32
        %swap3A_473 = arith.index_cast %add3A_472 : i32 to index
        %swap3A_474 = tpu.vector_load %arg16[%swap3A_473] {strides = array<i32>} : memref<16384xf32, #tpu.memory_space<vmem>>, vector<16xf32>,
        tpu.vector_store %arg16[%swap3A_473], %gather3A_470 {strides = array<i32>} : memref<16384xf32, #tpu.memory_space<vmem>>, vector<16xf32>,
        %add3A_475 = arith.constant 24576 : i32
        %add3A_476 = vector.broadcast %add3A_475 : i32 to vector<16xi32>
        %add3A_477 = arith.addi %get3A_446, %add3A_476 : vector<16xi32>
        %gather3A_478 = tpu.vector_load_idx %arg13[%add3A_477] : memref<32768xf32, #tpu.memory_space<vmem>>[vector<16xi32>], vector<16xf32>,
        %add3A_479 = arith.constant 12288 : i32
        %add3A_480 = arith.addi %add3A_479, %add3A_450 : i32
        %swap3A_481 = arith.index_cast %add3A_480 : i32 to index
        %swap3A_482 = tpu.vector_load %arg16[%swap3A_481] {strides = array<i32>} : memref<16384xf32, #tpu.memory_space<vmem>>, vector<16xf32>,
        tpu.vector_store %arg16[%swap3A_481], %gather3A_478 {strides = array<i32>} : memref<16384xf32, #tpu.memory_space<vmem>>, vector<16xf32>,
        %scan3A_483 = arith.constant 0 : i32
        scf.yield %scan3A_483 : i32
      }
      %scan3A_317 = arith.constant 128 : i32
      %lt3A_318 = arith.constant 15 : i32
      %lt3A_319 = arith.cmpi slt, %scan3A_205, %lt3A_318 : i32
      %convert_element_type3A_320 = arith.extui %lt3A_319 : i1 to i32
      %cond3A_321 = arith.constant 0 : i32
      %cond3A_322 = arith.cmpi ne, %convert_element_type3A_320, %cond3A_321 : i32
      scf.if %cond3A_322 {
        %add3A_400 = arith.constant 3 : i32
        %add3A_401 = arith.addi %mul3A_208, %add3A_400 : i32
        %mul3A_402 = arith.constant 128 : i32
        %mul3A_403 = arith.muli %select_n3A, %mul3A_402 : i32
        %mul3A_404 = arith.constant 4 : i32
        %mul3A_405 = arith.muli %add3A_401, %mul3A_404 : i32
        %add3A_406 = arith.addi %mul3A_403, %mul3A_405 : i32
        %mul3A_407 = arith.constant 8192 : i32
        %mul3A_408 = arith.muli %add3A_406, %mul3A_407 : i32
        %dma_start3A_409 = tpu.memref_slice %arg5[%mul3A_408] : memref<4194304xf32, #tpu.memory_space<hbm>> -> memref<32768xf32, #tpu.memory_space<hbm>>
        %dma_start3A_410 = tpu.memref_slice %arg5[%mul3A_408] : memref<4194304xf32, #tpu.memory_space<hbm>> -> memref<32768xf32, #tpu.memory_space<hbm>>
        tpu.enqueue_dma source(%dma_start3A_410 : memref<32768xf32, #tpu.memory_space<hbm>>) target(%arg13 : memref<32768xf32, #tpu.memory_space<vmem>>) target_semaphore(%arg19 : memref<!tpu.dma_semaphore, #tpu.memory_space<semaphore_mem>>)
      } else {
      }
      %add3A_323 = arith.constant 1 : i32
      %add3A_324 = arith.addi %mul3A_208, %add3A_323 : i32
      %mul3A_325 = arith.constant 4 : i32
      %mul3A_326 = arith.muli %add3A_324, %mul3A_325 : i32
      %add3A_327 = arith.constant 3 : i32
      %add3A_328 = arith.addi %add3A_327, %mul3A_326 : i32
      %add3A_329 = arith.constant 0 : i32
      %add3A_330 = arith.addi %add3A_328, %add3A_329 : i32
      %mul3A_331 = arith.constant 1024 : i32
      %mul3A_332 = arith.muli %add3A_330, %mul3A_331 : i32
      %mul3A_333 = arith.constant 32 : i32
      %mul3A_334 = arith.muli %mul3A_332, %mul3A_333 : i32
      %add3A_335 = arith.addi %add3A_87, %mul3A_334 : i32
      %dma_start3A_336 = arith.constant 0 : i32
      %dma_start3A_337 = tpu.memref_slice %arg16[%dma_start3A_336] : memref<16384xf32, #tpu.memory_space<vmem>> -> memref<4096xf32, #tpu.memory_space<vmem>>
      %dma_start3A_338 = tpu.memref_slice %arg6[%add3A_335] : memref<17170432xf32, #tpu.memory_space<hbm>> -> memref<4096xf32, #tpu.memory_space<hbm>>
      %dma_start3A_339 = tpu.memref_slice %arg6[%add3A_335] : memref<17170432xf32, #tpu.memory_space<hbm>> -> memref<4096xf32, #tpu.memory_space<hbm>>
      %dma_start3A_340 = arith.constant 0 : i32
      %dma_start3A_341 = tpu.memref_slice %arg16[%dma_start3A_340] : memref<16384xf32, #tpu.memory_space<vmem>> -> memref<4096xf32, #tpu.memory_space<vmem>>
      tpu.enqueue_dma source(%dma_start3A_341 : memref<4096xf32, #tpu.memory_space<vmem>>) target(%dma_start3A_339 : memref<4096xf32, #tpu.memory_space<hbm>>) target_semaphore(%arg22 : memref<!tpu.dma_semaphore, #tpu.memory_space<semaphore_mem>>)
      %add3A_342 = arith.constant 1 : i32
      %add3A_343 = arith.addi %mul3A_208, %add3A_342 : i32
      %mul3A_344 = arith.constant 4 : i32
      %mul3A_345 = arith.muli %add3A_343, %mul3A_344 : i32
      %add3A_346 = arith.constant 3 : i32
      %add3A_347 = arith.addi %add3A_346, %mul3A_345 : i32
      %add3A_348 = arith.constant 1 : i32
      %add3A_349 = arith.addi %add3A_347, %add3A_348 : i32
      %mul3A_350 = arith.constant 1024 : i32
      %mul3A_351 = arith.muli %add3A_349, %mul3A_350 : i32
      %mul3A_352 = arith.constant 32 : i32
      %mul3A_353 = arith.muli %mul3A_351, %mul3A_352 : i32
      %add3A_354 = arith.addi %add3A_87, %mul3A_353 : i32
      %dma_start3A_355 = arith.constant 4096 : i32
      %dma_start3A_356 = tpu.memref_slice %arg16[%dma_start3A_355] : memref<16384xf32, #tpu.memory_space<vmem>> -> memref<4096xf32, #tpu.memory_space<vmem>>
      %dma_start3A_357 = tpu.memref_slice %arg6[%add3A_354] : memref<17170432xf32, #tpu.memory_space<hbm>> -> memref<4096xf32, #tpu.memory_space<hbm>>
      %dma_start3A_358 = tpu.memref_slice %arg6[%add3A_354] : memref<17170432xf32, #tpu.memory_space<hbm>> -> memref<4096xf32, #tpu.memory_space<hbm>>
      %dma_start3A_359 = arith.constant 4096 : i32
      %dma_start3A_360 = tpu.memref_slice %arg16[%dma_start3A_359] : memref<16384xf32, #tpu.memory_space<vmem>> -> memref<4096xf32, #tpu.memory_space<vmem>>
      tpu.enqueue_dma source(%dma_start3A_360 : memref<4096xf32, #tpu.memory_space<vmem>>) target(%dma_start3A_358 : memref<4096xf32, #tpu.memory_space<hbm>>) target_semaphore(%arg22 : memref<!tpu.dma_semaphore, #tpu.memory_space<semaphore_mem>>)
      %add3A_361 = arith.constant 1 : i32
      %add3A_362 = arith.addi %mul3A_208, %add3A_361 : i32
      %mul3A_363 = arith.constant 4 : i32
      %mul3A_364 = arith.muli %add3A_362, %mul3A_363 : i32
      %add3A_365 = arith.constant 3 : i32
      %add3A_366 = arith.addi %add3A_365, %mul3A_364 : i32
      %add3A_367 = arith.constant 2 : i32
      %add3A_368 = arith.addi %add3A_366, %add3A_367 : i32
      %mul3A_369 = arith.constant 1024 : i32
      %mul3A_370 = arith.muli %add3A_368, %mul3A_369 : i32
      %mul3A_371 = arith.constant 32 : i32
      %mul3A_372 = arith.muli %mul3A_370, %mul3A_371 : i32
      %add3A_373 = arith.addi %add3A_87, %mul3A_372 : i32
      %dma_start3A_374 = arith.constant 8192 : i32
      %dma_start3A_375 = tpu.memref_slice %arg16[%dma_start3A_374] : memref<16384xf32, #tpu.memory_space<vmem>> -> memref<4096xf32, #tpu.memory_space<vmem>>
      %dma_start3A_376 = tpu.memref_slice %arg6[%add3A_373] : memref<17170432xf32, #tpu.memory_space<hbm>> -> memref<4096xf32, #tpu.memory_space<hbm>>
      %dma_start3A_377 = tpu.memref_slice %arg6[%add3A_373] : memref<17170432xf32, #tpu.memory_space<hbm>> -> memref<4096xf32, #tpu.memory_space<hbm>>
      %dma_start3A_378 = arith.constant 8192 : i32
      %dma_start3A_379 = tpu.memref_slice %arg16[%dma_start3A_378] : memref<16384xf32, #tpu.memory_space<vmem>> -> memref<4096xf32, #tpu.memory_space<vmem>>
      tpu.enqueue_dma source(%dma_start3A_379 : memref<4096xf32, #tpu.memory_space<vmem>>) target(%dma_start3A_377 : memref<4096xf32, #tpu.memory_space<hbm>>) target_semaphore(%arg22 : memref<!tpu.dma_semaphore, #tpu.memory_space<semaphore_mem>>)
      %add3A_380 = arith.constant 1 : i32
      %add3A_381 = arith.addi %mul3A_208, %add3A_380 : i32
      %mul3A_382 = arith.constant 4 : i32
      %mul3A_383 = arith.muli %add3A_381, %mul3A_382 : i32
      %add3A_384 = arith.constant 3 : i32
      %add3A_385 = arith.addi %add3A_384, %mul3A_383 : i32
      %add3A_386 = arith.constant 3 : i32
      %add3A_387 = arith.addi %add3A_385, %add3A_386 : i32
      %mul3A_388 = arith.constant 1024 : i32
      %mul3A_389 = arith.muli %add3A_387, %mul3A_388 : i32
      %mul3A_390 = arith.constant 32 : i32
      %mul3A_391 = arith.muli %mul3A_389, %mul3A_390 : i32
      %add3A_392 = arith.addi %add3A_87, %mul3A_391 : i32
      %dma_start3A_393 = arith.constant 12288 : i32
      %dma_start3A_394 = tpu.memref_slice %arg16[%dma_start3A_393] : memref<16384xf32, #tpu.memory_space<vmem>> -> memref<4096xf32, #tpu.memory_space<vmem>>
      %dma_start3A_395 = tpu.memref_slice %arg6[%add3A_392] : memref<17170432xf32, #tpu.memory_space<hbm>> -> memref<4096xf32, #tpu.memory_space<hbm>>
      %dma_start3A_396 = tpu.memref_slice %arg6[%add3A_392] : memref<17170432xf32, #tpu.memory_space<hbm>> -> memref<4096xf32, #tpu.memory_space<hbm>>
      %dma_start3A_397 = arith.constant 12288 : i32
      %dma_start3A_398 = tpu.memref_slice %arg16[%dma_start3A_397] : memref<16384xf32, #tpu.memory_space<vmem>> -> memref<4096xf32, #tpu.memory_space<vmem>>
      tpu.enqueue_dma source(%dma_start3A_398 : memref<4096xf32, #tpu.memory_space<vmem>>) target(%dma_start3A_396 : memref<4096xf32, #tpu.memory_space<hbm>>) target_semaphore(%arg22 : memref<!tpu.dma_semaphore, #tpu.memory_space<semaphore_mem>>)
      %scan3A_399 = arith.constant 0 : i32
      scf.yield %scan3A_399 : i32
    }
    %scan3A_140 = arith.constant 16 : i32
    %add3A_141 = arith.constant 4030464 : i32
    %add3A_142 = arith.addi %add3A_87, %add3A_141 : i32
    %dma_wait3A_143 = arith.constant 0 : i32
    %dma_wait3A_144 = tpu.memref_slice %arg15[%dma_wait3A_143] : memref<16384xf32, #tpu.memory_space<vmem>> -> memref<4096xf32, #tpu.memory_space<vmem>>
    %dma_wait3A_145 = tpu.memref_slice %arg6[%add3A_142] : memref<17170432xf32, #tpu.memory_space<hbm>> -> memref<4096xf32, #tpu.memory_space<hbm>>
    %dma_wait3A_146 = tpu.memref_slice %arg6[%add3A_142] : memref<17170432xf32, #tpu.memory_space<hbm>> -> memref<4096xf32, #tpu.memory_space<hbm>>
    %dma_wait3A_147 = arith.constant 0 : i32
    %dma_wait3A_148 = tpu.memref_slice %arg15[%dma_wait3A_147] : memref<16384xf32, #tpu.memory_space<vmem>> -> memref<4096xf32, #tpu.memory_space<vmem>>
    tpu.wait_dma2 semaphore(%arg21 : memref<!tpu.dma_semaphore, #tpu.memory_space<semaphore_mem>>) src(%dma_wait3A_148 : memref<4096xf32, #tpu.memory_space<vmem>>) dst(%dma_wait3A_146 : memref<4096xf32, #tpu.memory_space<hbm>>)
    %add3A_149 = arith.constant 4161536 : i32
    %add3A_150 = arith.addi %add3A_87, %add3A_149 : i32
    %dma_wait3A_151 = arith.constant 0 : i32
    %dma_wait3A_152 = tpu.memref_slice %arg16[%dma_wait3A_151] : memref<16384xf32, #tpu.memory_space<vmem>> -> memref<4096xf32, #tpu.memory_space<vmem>>
    %dma_wait3A_153 = tpu.memref_slice %arg6[%add3A_150] : memref<17170432xf32, #tpu.memory_space<hbm>> -> memref<4096xf32, #tpu.memory_space<hbm>>
    %dma_wait3A_154 = tpu.memref_slice %arg6[%add3A_150] : memref<17170432xf32, #tpu.memory_space<hbm>> -> memref<4096xf32, #tpu.memory_space<hbm>>
    %dma_wait3A_155 = arith.constant 0 : i32
    %dma_wait3A_156 = tpu.memref_slice %arg16[%dma_wait3A_155] : memref<16384xf32, #tpu.memory_space<vmem>> -> memref<4096xf32, #tpu.memory_space<vmem>>
    tpu.wait_dma2 semaphore(%arg22 : memref<!tpu.dma_semaphore, #tpu.memory_space<semaphore_mem>>) src(%dma_wait3A_156 : memref<4096xf32, #tpu.memory_space<vmem>>) dst(%dma_wait3A_154 : memref<4096xf32, #tpu.memory_space<hbm>>)
    %add3A_157 = arith.constant 4063232 : i32
    %add3A_158 = arith.addi %add3A_87, %add3A_157 : i32
    %dma_wait3A_159 = arith.constant 4096 : i32
    %dma_wait3A_160 = tpu.memref_slice %arg15[%dma_wait3A_159] : memref<16384xf32, #tpu.memory_space<vmem>> -> memref<4096xf32, #tpu.memory_space<vmem>>
    %dma_wait3A_161 = tpu.memref_slice %arg6[%add3A_158] : memref<17170432xf32, #tpu.memory_space<hbm>> -> memref<4096xf32, #tpu.memory_space<hbm>>
    %dma_wait3A_162 = tpu.memref_slice %arg6[%add3A_158] : memref<17170432xf32, #tpu.memory_space<hbm>> -> memref<4096xf32, #tpu.memory_space<hbm>>
    %dma_wait3A_163 = arith.constant 4096 : i32
    %dma_wait3A_164 = tpu.memref_slice %arg15[%dma_wait3A_163] : memref<16384xf32, #tpu.memory_space<vmem>> -> memref<4096xf32, #tpu.memory_space<vmem>>
    tpu.wait_dma2 semaphore(%arg21 : memref<!tpu.dma_semaphore, #tpu.memory_space<semaphore_mem>>) src(%dma_wait3A_164 : memref<4096xf32, #tpu.memory_space<vmem>>) dst(%dma_wait3A_162 : memref<4096xf32, #tpu.memory_space<hbm>>)
    %add3A_165 = arith.constant 4194304 : i32
    %add3A_166 = arith.addi %add3A_87, %add3A_165 : i32
    %dma_wait3A_167 = arith.constant 4096 : i32
    %dma_wait3A_168 = tpu.memref_slice %arg16[%dma_wait3A_167] : memref<16384xf32, #tpu.memory_space<vmem>> -> memref<4096xf32, #tpu.memory_space<vmem>>
    %dma_wait3A_169 = tpu.memref_slice %arg6[%add3A_166] : memref<17170432xf32, #tpu.memory_space<hbm>> -> memref<4096xf32, #tpu.memory_space<hbm>>
    %dma_wait3A_170 = tpu.memref_slice %arg6[%add3A_166] : memref<17170432xf32, #tpu.memory_space<hbm>> -> memref<4096xf32, #tpu.memory_space<hbm>>
    %dma_wait3A_171 = arith.constant 4096 : i32
    %dma_wait3A_172 = tpu.memref_slice %arg16[%dma_wait3A_171] : memref<16384xf32, #tpu.memory_space<vmem>> -> memref<4096xf32, #tpu.memory_space<vmem>>
    tpu.wait_dma2 semaphore(%arg22 : memref<!tpu.dma_semaphore, #tpu.memory_space<semaphore_mem>>) src(%dma_wait3A_172 : memref<4096xf32, #tpu.memory_space<vmem>>) dst(%dma_wait3A_170 : memref<4096xf32, #tpu.memory_space<hbm>>)
    %add3A_173 = arith.constant 4096000 : i32
    %add3A_174 = arith.addi %add3A_87, %add3A_173 : i32
    %dma_wait3A_175 = arith.constant 8192 : i32
    %dma_wait3A_176 = tpu.memref_slice %arg15[%dma_wait3A_175] : memref<16384xf32, #tpu.memory_space<vmem>> -> memref<4096xf32, #tpu.memory_space<vmem>>
    %dma_wait3A_177 = tpu.memref_slice %arg6[%add3A_174] : memref<17170432xf32, #tpu.memory_space<hbm>> -> memref<4096xf32, #tpu.memory_space<hbm>>
    %dma_wait3A_178 = tpu.memref_slice %arg6[%add3A_174] : memref<17170432xf32, #tpu.memory_space<hbm>> -> memref<4096xf32, #tpu.memory_space<hbm>>
    %dma_wait3A_179 = arith.constant 8192 : i32
    %dma_wait3A_180 = tpu.memref_slice %arg15[%dma_wait3A_179] : memref<16384xf32, #tpu.memory_space<vmem>> -> memref<4096xf32, #tpu.memory_space<vmem>>
    tpu.wait_dma2 semaphore(%arg21 : memref<!tpu.dma_semaphore, #tpu.memory_space<semaphore_mem>>) src(%dma_wait3A_180 : memref<4096xf32, #tpu.memory_space<vmem>>) dst(%dma_wait3A_178 : memref<4096xf32, #tpu.memory_space<hbm>>)
    %add3A_181 = arith.constant 4227072 : i32
    %add3A_182 = arith.addi %add3A_87, %add3A_181 : i32
    %dma_wait3A_183 = arith.constant 8192 : i32
    %dma_wait3A_184 = tpu.memref_slice %arg16[%dma_wait3A_183] : memref<16384xf32, #tpu.memory_space<vmem>> -> memref<4096xf32, #tpu.memory_space<vmem>>
    %dma_wait3A_185 = tpu.memref_slice %arg6[%add3A_182] : memref<17170432xf32, #tpu.memory_space<hbm>> -> memref<4096xf32, #tpu.memory_space<hbm>>
    %dma_wait3A_186 = tpu.memref_slice %arg6[%add3A_182] : memref<17170432xf32, #tpu.memory_space<hbm>> -> memref<4096xf32, #tpu.memory_space<hbm>>
    %dma_wait3A_187 = arith.constant 8192 : i32
    %dma_wait3A_188 = tpu.memref_slice %arg16[%dma_wait3A_187] : memref<16384xf32, #tpu.memory_space<vmem>> -> memref<4096xf32, #tpu.memory_space<vmem>>
    tpu.wait_dma2 semaphore(%arg22 : memref<!tpu.dma_semaphore, #tpu.memory_space<semaphore_mem>>) src(%dma_wait3A_188 : memref<4096xf32, #tpu.memory_space<vmem>>) dst(%dma_wait3A_186 : memref<4096xf32, #tpu.memory_space<hbm>>)
    %add3A_189 = arith.constant 4128768 : i32
    %add3A_190 = arith.addi %add3A_87, %add3A_189 : i32
    %dma_wait3A_191 = arith.constant 12288 : i32
    %dma_wait3A_192 = tpu.memref_slice %arg15[%dma_wait3A_191] : memref<16384xf32, #tpu.memory_space<vmem>> -> memref<4096xf32, #tpu.memory_space<vmem>>
    %dma_wait3A_193 = tpu.memref_slice %arg6[%add3A_190] : memref<17170432xf32, #tpu.memory_space<hbm>> -> memref<4096xf32, #tpu.memory_space<hbm>>
    %dma_wait3A_194 = tpu.memref_slice %arg6[%add3A_190] : memref<17170432xf32, #tpu.memory_space<hbm>> -> memref<4096xf32, #tpu.memory_space<hbm>>
    %dma_wait3A_195 = arith.constant 12288 : i32
    %dma_wait3A_196 = tpu.memref_slice %arg15[%dma_wait3A_195] : memref<16384xf32, #tpu.memory_space<vmem>> -> memref<4096xf32, #tpu.memory_space<vmem>>
    tpu.wait_dma2 semaphore(%arg21 : memref<!tpu.dma_semaphore, #tpu.memory_space<semaphore_mem>>) src(%dma_wait3A_196 : memref<4096xf32, #tpu.memory_space<vmem>>) dst(%dma_wait3A_194 : memref<4096xf32, #tpu.memory_space<hbm>>)
    %add3A_197 = arith.constant 4259840 : i32
    %add3A_198 = arith.addi %add3A_87, %add3A_197 : i32
    %dma_wait3A_199 = arith.constant 12288 : i32
    %dma_wait3A_200 = tpu.memref_slice %arg16[%dma_wait3A_199] : memref<16384xf32, #tpu.memory_space<vmem>> -> memref<4096xf32, #tpu.memory_space<vmem>>
    %dma_wait3A_201 = tpu.memref_slice %arg6[%add3A_198] : memref<17170432xf32, #tpu.memory_space<hbm>> -> memref<4096xf32, #tpu.memory_space<hbm>>
    %dma_wait3A_202 = tpu.memref_slice %arg6[%add3A_198] : memref<17170432xf32, #tpu.memory_space<hbm>> -> memref<4096xf32, #tpu.memory_space<hbm>>
    %dma_wait3A_203 = arith.constant 12288 : i32
    %dma_wait3A_204 = tpu.memref_slice %arg16[%dma_wait3A_203] : memref<16384xf32, #tpu.memory_space<vmem>> -> memref<4096xf32, #tpu.memory_space<vmem>>
    tpu.wait_dma2 semaphore(%arg22 : memref<!tpu.dma_semaphore, #tpu.memory_space<semaphore_mem>>) src(%dma_wait3A_204 : memref<4096xf32, #tpu.memory_space<vmem>>) dst(%dma_wait3A_202 : memref<4096xf32, #tpu.memory_space<hbm>>)
    return
  }
}

</mosaic_0001>

<sc_bundles>
// kernel: _run.3.cloned.1.call-start
scs
__scs_entry_jumppad:
0x0: {  	(pc) =	sbr.rel $0x88, $3  }
0x1: {  	(tag) =	ssettag $0x0;
	lr =	simm.s32 $0x1  }
0x2: {  	[smem:$0x3F9D] =	sst lr;
	_ =	strace $0xD0000000  }
0x3: {  	_ = 	snop  }
0x4: {  	_ = 	snop  }
0x5: {  	_ = 	snop  }
0x6: {  	_ = 	snop  }
0x7: {  	_ = 	snop  }
__scs_overlays_trampoline_lowered:
0x8: {  	[smem:$0x3FAC] =	sst s0  }
0x9: {  	[smem:$0x3FAD] =	sst s1  }
0xa: {  	[smem:$0x3FAE] =	sst s2  }
0xb: {  	[smem:$0x3FAF] =	sst s3  }
0xc: {  	[smem:$0x3FB0] =	sst s4  }
0xd: {  	[smem:$0x3FB1] =	sst s5  }
0xe: {  	[smem:$0x3FB2] =	sst s6  }
0xf: {  	[smem:$0x3FB3] =	sst s7  }
0x10: {  	[smem:$0x3FB4] =	sst s8  }
0x11: {  	[smem:$0x3FB5] =	sst s9;
	s0 =	simm.s32 @!p0 $0x0  }
0x12: {  	s1 =	sld [smem:$0x3F9B];
	s0 =	simm.s32 @p0 $0x1  }
0x13: {  	[smem:$0x3FB6] =	sst s0;
	s0 =	simm.s32 @!p1 $0x0  }
0x14: {  	s2 =	sld [smem:$0x3F9A];
	s0 =	simm.s32 @p1 $0x1  }
0x15: {  	[smem:$0x3FB7] =	sst s0;
	s0 =	simm.s32 @!p2 $0x0  }
0x16: {  	s3 =	sld [smem:$0x3FDB];
	s0 =	simm.s32 @p2 $0x1  }
0x17: {  	s4 =	simm.s32 $0x1BF5;
	[smem:$0x3FB9] =	sst s0  }
0x18: {  	s0 =	sld [smem:$0x3F9C];
	_ =	swait.ge [sflag:s4], $0x0  }
0x19: {  	s7 =	sld [smem:$0x3F9D]  }
0x1a: {  	s8 =	sadd.s32 $0xFFFFE003, lr  }
0x1b: {  	s9 =	sadd.s32 $0xFFFFFEF7, lr;
	s5 =	simm.s32 $0xFFFFFFFF;
	p2 =	slt.u32 s8, $0xFFFFF086  }
0x1c: {  	p1 =	slt.u32 s9, $0xF7A;
	s5 =	simm.s32 @!p2 $0x0  }
0x1d: {  	s5 =	simm.s32 @p1 $0x1;
	p0 =	seq.s32 s7, s2  }
0x1e: {  	s7 =	smul.u32 @!p0 $0xF7A, s2;
	p2 =	seq.s32 @!p0 s5, $0x0  }
0x1f: {  	s9 =	smul.u32 $0xF7A, s1;
	s8 =	simm.s32 @!p0 $0x1BF5;
	p2 =	por !p2, p0  }
0x20: {  	[sflag:s8] =	ssyncset.s32 @!p0 $0xFFFFF086;
	s6 =	sadd.s32 @!p0 s3, s7;
	s7 =	simm.s32 @!p0 $0x108  }
0x21: {  	s3 =	sadd.s32 s3, s9;
	s6 =	sadd.s32 @!p0 $0x88, s6;
	s7 =	simm.s32 @p2 $0x1082  }
0x22: {  	[simem:s7], [sflag:s8] =	dma.local @!p0 [hbm:s6], $0xF7A  }
0x23: {  	s9 =	sor.u32 $0xD0000000, s2;
	s6 =	simm.s32 $0x108;
	_ =	swait.ge @!p0 [sflag:s8], $0x0  }
0x24: {  	s3 =	sadd.s32 $0x88, s3;
	s6 =	simm.s32 @!p1 $0x1082;
	[sflag:s4] =	ssyncset.s32 $0xFFFFF086  }
0x25: {  	[simem:s6], [sflag:s4] =	dma.local [hbm:s3], $0xF7A  }
0x26: {  	[smem:$0x3F9D] =	sst s1;
	(tag) =	ssettag s2;
	_ =	strace s9  }
0x27: {  	s1 =	sld [smem:$0x3FAD]  }
0x28: {  	s2 =	sld [smem:$0x3FAE]  }
0x29: {  	s4 =	sld [smem:$0x3FB0]  }
0x2a: {  	p0 =	seq.s32 s5, $0x0;
	s5 =	sld [smem:$0x3FB1]  }
0x2b: {  	s6 =	sld [smem:$0x3FB2]  }
0x2c: {  	s7 =	sld [smem:$0x3FB3]  }
0x2d: {  	s3 =	simm.s32 $0x108;
	s8 =	sld [smem:$0x3FB4]  }
0x2e: {  	s3 =	simm.s32 @!p0 $0x1082;
	s9 =	sld [smem:$0x3FB5]  }
0x2f: {  	lr =	sadd.s32 s0, s3;
	s0 =	sld [smem:$0x3FAC]  }
0x30: {  	s3 =	sld [smem:$0x3FAF]  }
0x31: {  	[smem:$0x3FB8] =	sst s10  }
0x32: {  	s10 =	sld [smem:$0x3FB6];
	_ =	sdelay $0x3  }
0x33: {  	p0 =	seq.s32 s10, $0x1;
	s10 =	sld [smem:$0x3FB8];
	_ =	sdelay $0x3  }
0x34: {  	[smem:$0x3FB8] =	sst s10  }
0x35: {  	s10 =	sld [smem:$0x3FB7];
	_ =	sdelay $0x3  }
0x36: {  	p1 =	seq.s32 s10, $0x1;
	s10 =	sld [smem:$0x3FB8];
	_ =	sdelay $0x3  }
0x37: {  	[smem:$0x3FB8] =	sst s10  }
0x38: {  	s10 =	sld [smem:$0x3FB9]  }
0x39: {  	_ = 	snop;
	(pc) =	sbr.ind lr, $3  }
0x3a: {  	_ = 	snop  }
0x3b: {  	_ = 	snop  }
0x3c: {  	p2 =	seq.s32 s10, $0x1;
	s10 =	sld [smem:$0x3FB8]  }
0x3d: {  	_ =	shalt  }
0x3e: {  	_ =	shalt  }
0x3f: {  	_ =	shalt  }
0x40: {  	_ =	shalt  }
0x41: {  	_ =	shalt  }
0x42: {  	_ =	shalt  }
0x43: {  	_ =	shalt  }
0x44: {  	_ =	shalt  }
0x45: {  	_ =	shalt  }
0x46: {  	_ =	shalt  }
0x47: {  	_ =	shalt  }
0x48: {  	_ =	shalt  }
0x49: {  	_ =	shalt  }
0x4a: {  	_ =	shalt  }
0x4b: {  	_ =	shalt  }
0x4c: {  	_ =	shalt  }
0x4d: {  	_ =	shalt  }
0x4e: {  	_ =	shalt  }
0x4f: {  	_ =	shalt  }
0x50: {  	_ =	shalt  }
0x51: {  	_ =	shalt  }
0x52: {  	_ =	shalt  }
0x53: {  	_ =	shalt  }
0x54: {  	_ =	shalt  }
0x55: {  	_ =	shalt  }
0x56: {  	_ =	shalt  }
0x57: {  	_ =	shalt  }
0x58: {  	_ =	shalt  }
0x59: {  	_ =	shalt  }
0x5a: {  	_ =	shalt  }
0x5b: {  	_ =	shalt  }
0x5c: {  	_ =	shalt  }
0x5d: {  	_ =	shalt  }
0x5e: {  	_ =	shalt  }
0x5f: {  	_ =	shalt  }
0x60: {  	_ =	shalt  }
0x61: {  	_ =	shalt  }
0x62: {  	_ =	shalt  }
0x63: {  	_ =	shalt  }
0x64: {  	_ =	shalt  }
0x65: {  	_ =	shalt  }
0x66: {  	_ =	shalt  }
0x67: {  	_ =	shalt  }
0x68: {  	_ =	shalt  }
0x69: {  	_ =	shalt  }
0x6a: {  	_ =	shalt  }
0x6b: {  	_ =	shalt  }
0x6c: {  	_ =	shalt  }
0x6d: {  	_ =	shalt  }
0x6e: {  	_ =	shalt  }
0x6f: {  	_ =	shalt  }
0x70: {  	_ =	shalt  }
0x71: {  	_ =	shalt  }
0x72: {  	_ =	shalt  }
0x73: {  	_ =	shalt  }
0x74: {  	_ =	shalt  }
0x75: {  	_ =	shalt  }
0x76: {  	_ =	shalt  }
0x77: {  	_ =	shalt  }
0x78: {  	_ =	shalt  }
0x79: {  	_ =	shalt  }
0x7a: {  	_ =	shalt  }
0x7b: {  	_ =	shalt  }
0x7c: {  	_ =	shalt  }
0x7d: {  	_ =	shalt  }
0x7e: {  	_ =	shalt  }
0x7f: {  	_ =	shalt  }
0x80: {  	_ =	shalt  }
0x81: {  	_ =	shalt  }
0x82: {  	_ =	shalt  }
0x83: {  	_ =	shalt  }
0x84: {  	_ =	shalt  }
0x85: {  	_ =	shalt  }
0x86: {  	_ =	shalt  }
0x87: {  	_ =	shalt  }
.Lfunc_end0:
.L_simem_size_0:
called_computation_lowered:
.L_overlay_start_0:
0x88: {  	s2 =	sld [smem:$0x3FD9]  }
0x89: {  	s3 =	sld [smem:$0x3FFE];
	_ =	sdelay $0x1  }
0x8a: {  	s1 =	srdreg.scid  }
0x8b: {  	s0 =	sand.u32 $0x1, s1  }
0x8c: {  	s18 =	sshll.u32 s0, $0xA;
	s2 =	sadd.s32 s3, s2  }
0x8d: {  	s2 =	sadd.s32 s2, s18  }
0x8e: {  	[smem:$0x3FC4] =	sst s2  }
0x8f: {  	_ = 	snop  }
0x90: {  	s2 =	sld [smem:$0x3FC9]  }
0x91: {  	s19 =	sld [smem:$0x3FC8]  }
0x92: {  	s4 =	sld [smem:$0x3FC7]  }
0x93: {  	s5 =	sld [smem:$0x3FC6]  }
0x94: {  	s6 =	sld [smem:$0x3FD0];
	(tm) =	ssettm $0x1  }
0x95: {  	s7 =	sld [smem:$0x3FFB];
	_ =	sdelay $0x3  }
0x96: {  	_ =	strace s7  }
0x97: {  	s7 =	sld [smem:$0x3FFC];
	_ =	sdelay $0x3  }
0x98: {  	_ =	strace s7  }
0x99: {  	s7 =	sld [smem:$0x3FFD];
	_ =	sdelay $0x3  }
0x9a: {  	_ =	strace s7  }
0x9b: {  	_ =	strace $0x8FFFFFFF  }
0x9c: {  	s20 =	sld [smem:$0x3FDB];
	_ =	sdelay $0x1  }
0x9d: {  	s8 =	simm.s32 $_scs_section_size  }
0x9e: {  	s9 =	simm.s32 $_size__tile_overlayer_lowered;
	s10 =	simm.s32 $_tile_overlayer_lowered  }
0x9f: {  	s23 =	simm.s32 $0x1BFF;
	s22 =	sshll.u32 s10, $0x1;
	s7 =	sadd.s32 s8, s20  }
0xa0: {  	s11 =	simm.s32 $0x0;
	s21 =	sshll.u32 s9, $0x1;
	s9 =	sadd.s32 s22, s7  }
0xa1: {  	[timem:s11], [sflag:s23] =	dma.local [hbm:s9], s21  }
0xa2: {  	_ =	swait.ge [sflag:s23], s21  }
0xa3: {  	s8 =	ssub.s32 $0x0, s21;
	[sflag:s23] =	ssyncset.done $0x0  }
0xa4: {  	[sflag:s23] =	ssyncadd.s32 s8;
	_ =	sdelay $0x1  }
0xa5: {  	s24 =	simm.s32 $0x1B8B  }
0xa6: {  	_ =	swait.ge [sflag:s24], $0x1  }
0xa7: {  	[sflag:s24] =	ssyncset.done $0x0  }
0xa8: {  	s25 =	simm.s32 $0x1B8E;
	[sflag:s24] =	ssyncadd.s32 $0xFFFFFFFF  }
0xa9: {  	s26 =	simm.s32 $execute0_lowered;
	[smem:$0x3FD2] =	sst s25  }
0xaa: {  	s8 =	sshll.u32 s26, $0x1;
	_ =	strace $0x80000046;
	[dreg:$0x1] =	wrdreg $0xFFFFFFFF  }
0xab: {  	s28 =	simm.s32 $_size_execute0_lowered;
	s7 =	sadd.s32 s7, s8;
	[dreg:$0x0] =	wrdreg $0x0  }
0xac: {  	s8 =	sshll.u32 s28, $0x1;
	[dreg:$0x2] =	wrdreg s7  }
0xad: {  	[dreg:$0x3] =	wrdreg s8  }
0xae: {  	[dreg:$0x4] =	wrdreg $0xC0  }
0xaf: {  	_ =	task [dreg:s11], $0x5FFFF  }
0xb0: {  	[dreg:$0x1] =	wrdreg $0xFFFFFFFF  }
0xb1: {  	[dreg:$0x0] =	wrdreg $0x60  }
0xb2: {  	[dreg:$0x2] =	wrdreg s5  }
0xb3: {  	[dreg:$0x3] =	wrdreg s19  }
0xb4: {  	[dreg:$0x4] =	wrdreg s2  }
0xb5: {  	[dreg:$0x5] =	wrdreg s4  }
0xb6: {  	[dreg:$0x6] =	wrdreg s6  }
0xb7: {  	[dreg:$0x7] =	wrdreg $0x9  }
0xb8: {  	_ =	task.clear_ibuf [dreg:s11], $0x8FFFF;
	_ =	strace $0x90000046  }
0xb9: {  	s29 =	simm.s32 $0x9;
	_ =	strace $0x80000048  }
0xba: {  	_ =	swait.ge [sflag:s29], $0x1  }
0xbb: {  	[sflag:s29] =	ssyncadd.s32 $0xFFFFFFFF  }
0xbc: {  	_ =	strace $0x90000048  }
0xbd: {  	_ =	sfence  }
0xbe: {  	s30 =	sld [smem:$0x0];
	_ =	sdelay $0x2  }
0xbf: {  	s31 =	sshll.u32 s1, $0xD;
	s1 =	sshrl.u32 s1, $0x2  }
0xc0: {  	s3 =	sand.u32 $0x4000, s31;
	s1 =	sadd.s32 s1, s30  }
0xc1: {  	s0 =	sor.u32 s3, s0;
	s1 =	sshll.u32 s1, $0x11  }
0xc2: {  	s0 =	sor.u32 s1, s0  }
0xc3: {  	s0 =	sadd.s32 $0x8F2B, s0  }
0xc4: {  	[sflag:s0] =	ssyncadd.remote.s32 $0x1  }
0xc5: {  	_ =	sfence.sel $0xFFFF  }
0xc6: {  	[dreg:$0x0] =	wrdreg $0xFFFFFFFF;
	(pc) =	sbr.abs _section_cstart, $3  }
0xc7: {  	[dreg:$0x1] =	wrdreg $0xFFFFFFFF  }
0xc8: {  	_ =	task.clear_ibuf [dreg:s11], $0x2FFFF;
	_ =	strace $0x9FFFFFFF  }
0xc9: {  	(tm) =	ssettm $0x7FFFFFFF  }
tec
execute0_lowered:
.L_overlay_start_1:
0x0: {  	(tag) =	ssettag $0x1  }
0x1: {  	s12 =	rddreg [dreg:$0x0]  }
0x2: {  	s0 =	rddreg [dreg:$0x1]  }
0x3: {  	s3 =	stileid.u32;
	s5 =	rddreg [dreg:$0x2]  }
0x4: {  	s1 =	srdreg.scid;
	s6 =	rddreg [dreg:$0x3];
	s4 =	simm.s32 $0x0  }
0x5: {  	s29 =	simm.s32 $0x5A80;
	s30 =	simm.s32 $0xDA80;
	s31 =	simm.s32 $0x1980  }
0x6: {  	s2 =	sshll.u32 s3, $0x1;
	s7 =	sshrl.u32 s3, $0x2;
	s3 =	rddreg [dreg:$0x4]  }
0x7: {  	s13 =	simm.s32 $0x3;
	s1 =	sand.u32 $0x1, s1;
	[smem:$0x7FF] =	sst s4  }
0x8: {  	s2 =	sand.u32 $0x6, s2;
	s8 =	sshll.u32 s7, $0xA;
	s11 =	smul.u32 $0xC00, s7  }
0x9: {  	_ =	strace $0x80000047;
	s16 =	smul.u32 $0x418000, s7;
	s19 =	sshll.u32 s7, $0x11  }
0xa: {  	s2 =	sor.u32 s1, s2;
	s1 =	ssub.s32 $0x2, s1;
	s6 =	sadd.s32 s6, s19  }
0xb: {  	s9 =	sshll.u32 s2, $0x7;
	s17 =	sadd.s32 s5, s11;
	[dreg:$0x8] =	wrdreg s6  }
0xc: {  	s10 =	sshrl.u32 s1, $0x1;
	s26 =	sadd.s32 $0x1000, s6;
	[dreg:$0x7] =	wrdreg s17  }
0xd: {  	s8 =	sor.u32 s8, s9;
	s1 =	ssub.s32 s1, s10;
	[dreg:$0x10] =	wrdreg s26  }
0xe: {  	s9 =	smul.u32 $0x3, s8;
	s20 =	sshll.u32 s8, $0x6;
	s28 =	smax.u32 s1, $0x1  }
0xf: {  	s23 =	sshll.u32 s8, $0x9;
	s21 =	sadd.s32 s12, s20;
	[dreg:$0x17] =	wrdreg s28  }
0x10: {  	s18 =	sshll.u32 s2, $0xC;
	s24 =	sor.u32 $0x4000, s23;
	[dreg:$0x9] =	wrdreg s21  }
0x11: {  	s5 =	sor.u32 $0x6000, s23;
	s9 =	sshrl.u32 s9, $0x3;
	[dreg:$0xc] =	wrdreg s24  }
0x12: {  	v0 =	vimm.s32 $0x8040201;
	v1 =	vimm.s32 $0x80402010;
	s26 =	sadd.s32 $0x3000, s6;
	[dreg:$0xd] =	wrdreg s5;
	s0 =	sadd.s32 s0, s9  }
0x13: {  	v0 =	vunpack.c.0.s8.s32 v0;
	v1 =	vunpack.c.0.s8.s32 v1;
	s7 =	sadd.s32 $0x400, s21;
	[dreg:$0x6] =	wrdreg s0;
	s0 =	sor.u32 s16, s18  }
0x14: {  	vm0 =	vcmask $0xF00;
	s10 =	simm.s32 $0x5;
	[dreg:$0xa] =	wrdreg s7;
	s16 =	sadd.s32 $0x18000, s0  }
0x15: {  	vm8 =	vcmask $0x1F10;
	v0 =	vnsel vm0, $0x8000, v0;
	v1 =	vand.u32 $0xFF, v1;
	s8 =	simm.s32 $0x4;
	s17 =	sadd.s32 $0x20000, s0;
	[dreg:$0x11] =	wrdreg s16  }
0x16: {  	vm9 =	vcmask $0x2320;
	v0 =	vsel vm8, v1, v0;
	s5 =	simm.s32 $0x1A00;
	s18 =	sadd.s32 $0x28000, s0;
	[dreg:$0x12] =	wrdreg s17  }
0x17: {  	vm10 =	vcmask $0x2724;
	v0 =	vsel vm9, $0x100, v0;
	s9 =	simm.s32 $0x2;
	s19 =	sadd.s32 $0x30000, s0;
	[dreg:$0x13] =	wrdreg s18  }
0x18: {  	vm11 =	vcmask $0x2B28;
	v0 =	vsel vm10, $0x200, v0;
	s7 =	simm.s32 $0x0;
	s20 =	sadd.s32 $0x38000, s0;
	[dreg:$0x14] =	wrdreg s19  }
0x19: {  	vm12 =	vcmask $0x2F2C;
	v0 =	vsel vm11, $0x400, v0;
	s22 =	sshrl.u32 s0, $0x3;
	s21 =	sadd.s32 $0x40000, s0;
	[dreg:$0x15] =	wrdreg s20  }
0x1a: {  	vm13 =	vcmask $0x3330;
	v0 =	vsel vm12, $0x800, v0;
	s23 =	sadd.s32 $0x50000, s0;
	s2 =	sadd.s32 s3, s22;
	[dreg:$0x16] =	wrdreg s21  }
0x1b: {  	vm14 =	vcmask $0x3734;
	v1 =	vsel vm13, $0x1000, v0;
	s22 =	sadd.s32 $0x48000, s0;
	s25 =	sadd.s32 $0x2000, s2;
	[dreg:$0xb] =	wrdreg s2  }
0x1c: {  	vm15 =	vcmask $0x3B38;
	v0 =	vlaneseq.u32;
	v2 =	vsel vm14, $0x2000, v1;
	s0 =	simm.s32 $0x1;
	s2 =	sadd.s32 $0x1000, s2;
	[dreg:$0xe] =	wrdreg s25  }
0x1d: {  	v1 =	vimm.s32 $0x0;
	v3 =	vor.u32 $0x10, v0;
	v2 =	vsel vm15, $0x4000, v2;
	[dreg:$0xf] =	wrdreg s2;
	s25 =	sadd.s32 $0x2000, s6;
	s6 =	simm.s32 $0x180  }
.LBB2_1:
0x1e: {  	[dreg:$0x18] =	wrdreg s7  }
0x1f: {  	s1 =	rddreg [dreg:$0x6];
	s18 =	simm.s32 $0x7  }
0x20: {  	[tilespmem:s4], [sflag:$0x7] =	stream.linear.gather [hbm4b:s1+s4], $0x180, $0x38;
	[tilespmem:$0x1DA80] =	vst v63  }
0x21: {  	_ =	swait.ge [sflag:s18], $0x180  }
0x22: {  	[sflag:s18] =	ssyncset.done $0x0  }
0x23: {  	s19 =	rddreg [dreg:$0x7];
	[sflag:s18] =	ssyncadd.s32 $0xFFFFFE80  }
0x24: {  	[tilespmem:s29], [sflag:$0x3] =	stream.linear.gather [hbm4b:s19+s4], $0x6000, $0x38;
	[tilespmem:$0x1DA80] =	vst v63  }
0x25: {  	s20 =	rddreg [dreg:$0x8]  }
0x26: {  	[tilespmem:s30], [sflag:$0x4] =	stream.linear.gather [hbm4b:s20+s4], $0x8000, $0x38;
	[tilespmem:$0x1DA80] =	vst v63  }
0x27: {  	s2 =	simm.s32 $0x1A80;
	s21 =	rddreg [dreg:$0x9]  }
0x28: {  	[tilespmem:s2], [sflag:$0x1] =	stream.linear.gather [hbm4b:s21+s4], $0x2000, $0x38;
	[tilespmem:$0x1DA80] =	vst v63  }
0x29: {  	s28 =	simm.s32 $0x3A80;
	s24 =	rddreg [dreg:$0xa];
	s2 =	simm.s32 $0x0  }
0x2a: {  	[tilespmem:s28], [sflag:$0x2] =	stream.linear.gather [hbm4b:s24+s4], $0x2000, $0x38;
	[tilespmem:$0x1DA80] =	vst v63  }
.LBB2_2:
.Ltmp0:
0x2b: {  	(pc) =	sbr.rel .LBB2_3-.Ltmp0, $4  }
0x2c: {  	_ = 	snop  }
0x2d: {  	_ =	swait.ge [sflag:s0], $0x2000  }
0x2e: {  	[sflag:s0] =	ssyncset.done $0x0  }
0x2f: {  	s7 =	sshll.u32 s2, $0x5;
	s28 =	simm.s32 $0x0;
	[sflag:s0] =	ssyncadd.s32 $0xFFFFE000  }
.LBB2_6:
0x30: {  	v5 =	vimm.s32 $0x0  }
.LBB2_14:
0x31: {  	_ =	sdelay $0x3  }
0x32: {  	v4 =	vld.idx.msk [tilespmem:v4+s6+$0x0], $0xffff  }
0x33: {  	v6 =	vld [tilespmem:s14+$0x180]  }
0x34: {  	v7 =	vld [tilespmem:s14+$0x190];
	s28 =	sadd.s32 $0x1, s28  }
0x35: {  	p0 =	sne.s32 s28, $0x10  }
.Ltmp1:
0x36: {  	_ = 	snop;
	(pc) =	sbr.rel @!p0 .LBB2_15-.Ltmp1, $4  }
0x37: {  	vm0 =	vgt.s32 v5, v0  }
0x38: {  	vm15 =	vgt.s32 v5, v3;
	v6 =	vsel vm0, v6, v4  }
0x39: {  	v4 =	vsel vm15, v7, v4;
	[tilespmem:s14+$0x180] =	vst v6  }
0x3a: {  	[tilespmem:s14+$0x190] =	vst v4  }
.LBB2_3:
0x3b: {  	s1 =	sshll.u32 s28, $0x9  }
0x3c: {  	s11 =	sor.u32 s7, s28;
	s12 =	simm.s32 $0x0;
	s1 =	sand.u32 $0x3FFFFE00, s1  }
0x3d: {  	s14 =	smul.u32 $0x30, s11;
	s19 =	sand.u32 $0x180, s12;
	s15 =	sadd.s32 $0x1A80, s1  }
0x3e: {  	v4 =	vimm.s32 $0x0;
	s20 =	sand.u32 $0x40, s12;
	s1 =	sadd.s32 s19, s15  }
0x3f: {  	[tilespmem:s14+$0x180] =	vst v4;
	s11 =	sadd.s32 s20, s1  }
0x40: {  	v5 =	vld [tilespmem:s11+$0x0];
	_ =	sdelay $0x4  }
0x41: {  	vm0 =	vne.s32 v5, $0x0  }
0x42: {  	v6 =	vsel vm0, $0x1, v1  }
0x43: {  	(xrf0) =	vadd.scan.msk.s32 $0xffff, v6;
	_ =	sdelay $0x4  }
0x44: {  	vm1 =	vlt.s32 v4, $0x20  }
0x45: {  	v6 =	vnsel vm1, $0x20, v4;
	v7, _, _ =	vpop (xrf0)  }
0x46: {  	v6 =	vadd.s32 v7, v6  }
0x47: {  	v6 =	vadd.s32 $0xFFFFFFFF, v6;
	_ =	sdelay $0x3  }
0x48: {  	s21 =	simm.s32 $0x10;
	v8 =	vor.u32 s12, v0  }
0x49: {  	s24 =	sand.u32 $0x50, s21;
	[tilespmem:v6+s31+$0x0] =	vst.idx.msk vm0, v8  }
0x4a: {  	s12 =	sadd.s32 s24, s1;
	[tilespmem:v6+s5+$0x0] =	vst.idx.msk vm0, v5  }
0x4b: {  	v5 =	vld [tilespmem:s12+$0x0];
	_ =	sdelay $0x4  }
0x4c: {  	vm1 =	vne.s32 v5, $0x0  }
0x4d: {  	v6 =	vsel vm1, $0x1, v1  }
0x4e: {  	(xrf0) =	vadd.scan.msk.s32 $0xffff, v6;
	_ =	sdelay $0x1  }
0x4f: {  	v6 =	vmpcnt.ones.xlane vm0;
	_ =	sdelay $0x1  }
0x50: {  	v4 =	vadd.s32 v4, v6  }
0x51: {  	vm0 =	vlt.s32 v4, $0x20  }
0x52: {  	v6 =	vnsel vm0, $0x20, v4;
	v8, _, _ =	vpop (xrf0)  }
0x53: {  	v6 =	vadd.s32 v8, v6  }
0x54: {  	v6 =	vadd.s32 $0xFFFFFFFF, v6;
	_ =	sdelay $0x3  }
0x55: {  	s16 =	simm.s32 $0x20;
	v9 =	vor.u32 s21, v0  }
0x56: {  	s17 =	sand.u32 $0x60, s16;
	[tilespmem:v6+s31+$0x0] =	vst.idx.msk vm1, v9  }
0x57: {  	s12 =	sadd.s32 s17, s1;
	[tilespmem:v6+s5+$0x0] =	vst.idx.msk vm1, v5  }
0x58: {  	v5 =	vld [tilespmem:s12+$0x0];
	_ =	sdelay $0x4  }
0x59: {  	vm0 =	vne.s32 v5, $0x0  }
0x5a: {  	v6 =	vsel vm0, $0x1, v1  }
0x5b: {  	(xrf0) =	vadd.scan.msk.s32 $0xffff, v6;
	_ =	sdelay $0x1  }
0x5c: {  	v6 =	vmpcnt.ones.xlane vm1;
	_ =	sdelay $0x1  }
0x5d: {  	v4 =	vadd.s32 v4, v6  }
0x5e: {  	vm1 =	vlt.s32 v4, $0x20  }
0x5f: {  	v6 =	vnsel vm1, $0x20, v4;
	v63, _, _ =	vpop (xrf0)  }
0x60: {  	v6 =	vadd.s32 v63, v6  }
0x61: {  	v6 =	vadd.s32 $0xFFFFFFFF, v6;
	_ =	sdelay $0x3  }
0x62: {  	s18 =	simm.s32 $0x30;
	v10 =	vor.u32 s16, v0  }
0x63: {  	s19 =	sand.u32 $0x70, s18;
	[tilespmem:v6+s31+$0x0] =	vst.idx.msk vm0, v10  }
0x64: {  	s1 =	sadd.s32 s19, s1;
	[tilespmem:v6+s5+$0x0] =	vst.idx.msk vm0, v5  }
0x65: {  	v5 =	vld [tilespmem:s1+$0x0];
	_ =	sdelay $0x4  }
0x66: {  	vm1 =	vne.s32 v5, $0x0  }
0x67: {  	v6 =	vsel vm1, $0x1, v1  }
0x68: {  	(xrf0) =	vadd.scan.msk.s32 $0xffff, v6;
	_ =	sdelay $0x1  }
0x69: {  	v6 =	vmpcnt.ones.xlane vm0;
	_ =	sdelay $0x1  }
0x6a: {  	(v2sf) =	vpush v7, $0xF;
	v4 =	vadd.s32 v4, v6  }
0x6b: {  	(v2sf) =	vpush v8, $0xF;
	vm0 =	vlt.s32 v4, $0x20  }
0x6c: {  	(v2sf) =	vpush v63, $0xF;
	v6 =	vnsel vm0, $0x20, v4;
	v7, _, _ =	vpop (xrf0)  }
0x6d: {  	v6 =	vadd.s32 v7, v6;
	(v2sf) =	vpush v7, $0xF  }
0x6e: {  	v6 =	vadd.s32 $0xFFFFFFFF, v6;
	_ =	sdelay $0x2  }
0x6f: {  	s19 =	simm.s32 $0x40  }
0x70: {  	s20 =	sand.u32 $0x180, s19;
	v7 =	vor.u32 s18, v0  }
0x71: {  	s21 =	sand.u32 $0x40, s19;
	s12 =	sadd.s32 s20, s15;
	[tilespmem:v6+s31+$0x0] =	vst.idx.msk vm1, v7  }
0x72: {  	s1 =	sadd.s32 s21, s12;
	[tilespmem:v6+s5+$0x0] =	vst.idx.msk vm1, v5  }
0x73: {  	v6 =	vld [tilespmem:s1+$0x0];
	_ =	sdelay $0x3  }
0x74: {  	s24 =	spop (v2sf);
	v5 =	vmpcnt.ones.xlane vm1  }
0x75: {  	s11 =	simm.s32 $0x4;
	s16 =	spop (v2sf);
	s18 =	sadd.s32 $0x0, s24;
	vm1 =	vne.s32 v6, $0x0  }
0x76: {  	s17 =	spop (v2sf);
	s24 =	simm.s32 $0x70;
	s16 =	sadd.s32 s16, s18;
	v4 =	vadd.s32 v4, v5;
	v7 =	vsel vm1, $0x1, v1  }
0x77: {  	s16 =	sadd.s32 s17, s16;
	s1 =	simm.s32 $0x70;
	vm0 =	vlt.s32 v4, $0x20;
	v5 =	vmpcnt.ones.xlane vm1;
	(xrf0) =	vadd.scan.msk.s32 $0xffff, v7;
	s17 =	spop (v2sf)  }
.LBB2_4:
0x78: {  	s11 =	sadd.s32 $0x4, s11;
	s16 =	sadd.s32 s17, s16  }
0x79: {  	p0 =	slt.u32 s11, $0x1C;
	_ =	sdelay $0x3  }
0x7a: {  	v7 =	vnsel vm0, $0x20, v4;
	v8, _, _ =	vpop (xrf0)  }
0x7b: {  	v7 =	vadd.s32 v8, v7;
	(v2sf) =	vpush v8, $0xF  }
0x7c: {  	v7 =	vadd.s32 $0xFFFFFFFF, v7;
	_ =	sdelay $0x3  }
0x7d: {  	s18 =	sadd.s32 $0xFFFFFFE0, s1;
	v8 =	vor.u32 s19, v0  }
0x7e: {  	s17 =	sand.u32 $0x50, s18;
	[tilespmem:v7+s31+$0x0] =	vst.idx.msk vm1, v8  }
0x7f: {  	s17 =	sadd.s32 s17, s12;
	[tilespmem:v7+s5+$0x0] =	vst.idx.msk vm1, v6  }
0x80: {  	v6 =	vld [tilespmem:s17+$0x0];
	_ =	sdelay $0x4  }
0x81: {  	vm0 =	vne.s32 v6, $0x0  }
0x82: {  	v7 =	vsel vm0, $0x1, v1;
	v8 =	vmpcnt.ones.xlane vm0  }
0x83: {  	s17 =	spop (v2sf);
	(xrf0) =	vadd.scan.msk.s32 $0xffff, v7;
	_ =	sdelay $0x3  }
0x84: {  	v4 =	vadd.s32 v4, v5  }
0x85: {  	vm1 =	vlt.s32 v4, $0x20;
	v5 =	vadd.s32 v4, v8  }
0x86: {  	v4 =	vnsel vm1, $0x20, v4;
	vm1 =	vlt.s32 v5, $0x20;
	v7, _, _ =	vpop (xrf0)  }
0x87: {  	v8 =	vnsel vm1, $0x20, v5;
	v4 =	vadd.s32 v7, v4;
	(v2sf) =	vpush v7, $0xF  }
0x88: {  	v4 =	vadd.s32 $0xFFFFFFFF, v4;
	_ =	sdelay $0x3  }
0x89: {  	s19 =	sadd.s32 $0xFFFFFFF0, s1;
	v7 =	vor.u32 s18, v0  }
0x8a: {  	s18 =	sand.u32 $0x60, s19;
	[tilespmem:v4+s31+$0x0] =	vst.idx.msk vm0, v7  }
0x8b: {  	s18 =	sadd.s32 s18, s12;
	[tilespmem:v4+s5+$0x0] =	vst.idx.msk vm0, v6  }
0x8c: {  	v4 =	vld [tilespmem:s18+$0x0];
	_ =	sdelay $0x4  }
0x8d: {  	vm0 =	vne.s32 v4, $0x0  }
0x8e: {  	v6 =	vsel vm0, $0x1, v1;
	v7 =	vmpcnt.ones.xlane vm0  }
0x8f: {  	s18 =	spop (v2sf);
	(xrf0) =	vadd.scan.msk.s32 $0xffff, v6  }
0x90: {  	v5 =	vadd.s32 v5, v7  }
0x91: {  	vm1 =	vlt.s32 v5, $0x20  }
0x92: {  	v6 =	vnsel vm1, $0x20, v5;
	_ =	sdelay $0x2  }
0x93: {  	v7, _, _ =	vpop (xrf0)  }
0x94: {  	v8 =	vadd.s32 v7, v8;
	(v2sf) =	vpush v7, $0xF  }
0x95: {  	v7 =	vadd.s32 $0xFFFFFFFF, v8;
	_ =	sdelay $0x3  }
0x96: {  	v8 =	vor.u32 s19, v0  }
0x97: {  	s19 =	sand.u32 $0x70, s1;
	[tilespmem:v7+s31+$0x0] =	vst.idx.msk vm0, v8  }
0x98: {  	s12 =	sadd.s32 s19, s12;
	[tilespmem:v7+s5+$0x0] =	vst.idx.msk vm0, v4  }
0x99: {  	v7 =	vld [tilespmem:s12+$0x0];
	_ =	sdelay $0x4  }
0x9a: {  	vm1 =	vne.s32 v7, $0x0  }
0x9b: {  	v4 =	vsel vm1, $0x1, v1;
	v8 =	vmpcnt.ones.xlane vm1  }
0x9c: {  	s20 =	spop (v2sf);
	(xrf0) =	vadd.scan.msk.s32 $0xffff, v4  }
0x9d: {  	v4 =	vadd.s32 v5, v8  }
0x9e: {  	vm0 =	vlt.s32 v4, $0x20;
	_ =	sdelay $0x3  }
0x9f: {  	v5, _, _ =	vpop (xrf0)  }
0xa0: {  	v6 =	vadd.s32 v5, v6;
	(v2sf) =	vpush v5, $0xF  }
0xa1: {  	v5 =	vadd.s32 $0xFFFFFFFF, v6;
	_ =	sdelay $0x1  }
0xa2: {  	s1 =	sadd.s32 $0x40, s1  }
0xa3: {  	s19 =	sadd.s32 $0xFFFFFFD0, s1  }
0xa4: {  	s12 =	sand.u32 $0x180, s19;
	v6 =	vor.u32 s24, v0;
	s24 =	smov.u32 s1  }
0xa5: {  	s21 =	sand.u32 $0x40, s19;
	s12 =	sadd.s32 s12, s15;
	[tilespmem:v5+s31+$0x0] =	vst.idx.msk vm1, v6  }
0xa6: {  	s21 =	sadd.s32 s21, s12;
	[tilespmem:v5+s5+$0x0] =	vst.idx.msk vm1, v7  }
0xa7: {  	v6 =	vld [tilespmem:s21+$0x0];
	_ =	sdelay $0x2  }
.Ltmp2:
0xa8: {  	(pc) =	sbr.rel @p0 .LBB2_4-.Ltmp2, $4  }
0xa9: {  	_ = 	snop  }
0xaa: {  	s16 =	sadd.s32 s16, s17;
	vm1 =	vne.s32 v6, $0x0  }
0xab: {  	s16 =	sadd.s32 s18, s16;
	v7 =	vsel vm1, $0x1, v1;
	v5 =	vmpcnt.ones.xlane vm1  }
0xac: {  	s16 =	sadd.s32 s20, s16;
	(xrf0) =	vadd.scan.msk.s32 $0xffff, v7;
	s17 =	spop (v2sf)  }
0xad: {  	_ =	sdelay $0x4  }
0xae: {  	v7 =	vnsel vm0, $0x20, v4;
	v8, _, _ =	vpop (xrf0)  }
0xaf: {  	v7 =	vadd.s32 v8, v7  }
0xb0: {  	v7 =	vadd.s32 $0xFFFFFFFF, v7;
	_ =	sdelay $0x3  }
0xb1: {  	v9 =	vor.u32 s19, v0;
	s11 =	sadd.s32 $0xFFFFFFE0, s1  }
0xb2: {  	s15 =	sand.u32 $0x50, s11;
	[tilespmem:v7+s31+$0x0] =	vst.idx.msk vm1, v9  }
0xb3: {  	s15 =	sadd.s32 s15, s12;
	[tilespmem:v7+s5+$0x0] =	vst.idx.msk vm1, v6  }
0xb4: {  	v6 =	vld [tilespmem:s15+$0x0];
	_ =	sdelay $0x4  }
0xb5: {  	vm10 =	vne.s32 v6, $0x0  }
0xb6: {  	v7 =	vsel vm10, $0x1, v1  }
0xb7: {  	(xrf0) =	vadd.scan.msk.s32 $0xffff, v7;
	_ =	sdelay $0x3  }
0xb8: {  	v4 =	vadd.s32 v4, v5  }
0xb9: {  	vm11 =	vlt.s32 v4, $0x20  }
0xba: {  	v5 =	vnsel vm11, $0x20, v4;
	v7, _, _ =	vpop (xrf0)  }
0xbb: {  	v5 =	vadd.s32 v7, v5  }
0xbc: {  	v5 =	vadd.s32 $0xFFFFFFFF, v5;
	_ =	sdelay $0x3  }
0xbd: {  	s20 =	sadd.s32 $0xFFFFFFF0, s1;
	v62 =	vor.u32 s11, v0  }
0xbe: {  	s21 =	sand.u32 $0x60, s20;
	[tilespmem:v5+s31+$0x0] =	vst.idx.msk vm10, v62  }
0xbf: {  	s15 =	sadd.s32 s21, s12;
	[tilespmem:v5+s5+$0x0] =	vst.idx.msk vm10, v6  }
0xc0: {  	v5 =	vld [tilespmem:s15+$0x0];
	_ =	sdelay $0x4  }
0xc1: {  	vm12 =	vne.s32 v5, $0x0  }
0xc2: {  	v6 =	vsel vm12, $0x1, v1  }
0xc3: {  	(xrf0) =	vadd.scan.msk.s32 $0xffff, v6;
	_ =	sdelay $0x1  }
0xc4: {  	v6 =	vmpcnt.ones.xlane vm10;
	_ =	sdelay $0x1  }
0xc5: {  	v4 =	vadd.s32 v4, v6  }
0xc6: {  	vm13 =	vlt.s32 v4, $0x20  }
0xc7: {  	v6 =	vnsel vm13, $0x20, v4;
	v63, _, _ =	vpop (xrf0)  }
0xc8: {  	v6 =	vadd.s32 v63, v6  }
0xc9: {  	v6 =	vadd.s32 $0xFFFFFFFF, v6;
	_ =	sdelay $0x3  }
0xca: {  	v10 =	vor.u32 s20, v0  }
0xcb: {  	s11 =	sand.u32 $0x70, s1;
	[tilespmem:v6+s31+$0x0] =	vst.idx.msk vm12, v10  }
0xcc: {  	s1 =	sadd.s32 s11, s12;
	[tilespmem:v6+s5+$0x0] =	vst.idx.msk vm12, v5  }
0xcd: {  	v5 =	vld [tilespmem:s1+$0x0];
	_ =	sdelay $0x4  }
0xce: {  	vm14 =	vne.s32 v5, $0x0  }
0xcf: {  	v6 =	vsel vm14, $0x1, v1  }
0xd0: {  	(xrf0) =	vadd.scan.msk.s32 $0xffff, v6;
	_ =	sdelay $0x3  }
0xd1: {  	(v2sf) =	vpush v8, $0xF  }
0xd2: {  	(v2sf) =	vpush v7, $0xF  }
0xd3: {  	(v2sf) =	vpush v63, $0xF;
	v6, _, _ =	vpop (xrf0)  }
0xd4: {  	(v2sf) =	vpush v6, $0xF;
	_ =	sdelay $0x9  }
0xd5: {  	v7 =	vmpcnt.ones.xlane vm12;
	_ =	sdelay $0x1  }
0xd6: {  	s18 =	sadd.s32 s17, s16;
	s15 =	spop (v2sf);
	v4 =	vadd.s32 v4, v7  }
0xd7: {  	s19 =	spop (v2sf);
	vm15 =	vlt.s32 v4, $0x20;
	s1 =	sadd.s32 s18, s15  }
0xd8: {  	v4 =	vnsel vm15, $0x20, v4;
	s1 =	sadd.s32 s19, s1;
	s20 =	spop (v2sf)  }
0xd9: {  	s1 =	sadd.s32 s20, s1;
	v4 =	vadd.s32 v6, v4;
	s21 =	spop (v2sf)  }
0xda: {  	v4 =	vadd.s32 $0xFFFFFFFF, v4;
	s1 =	sadd.s32 s21, s1  }
0xdb: {  	p0 =	slt.s32 s1, $0x1  }
.Ltmp3:
0xdc: {  	_ = 	snop;
	(pc) =	sbr.rel @p0 .LBB2_6-.Ltmp3, $4  }
0xdd: {  	_ = 	snop  }
0xde: {  	v6 =	vor.u32 s24, v0  }
0xdf: {  	[tilespmem:v4+s31+$0x0] =	vst.idx.msk vm14, v6  }
0xe0: {  	[tilespmem:v4+s5+$0x0] =	vst.idx.msk vm14, v5;
	v4 =	vmov s14  }
0xe1: {  	s1 =	smin.u32 s1, $0x20  }
0xe2: {  	p1 =	sne.s32 s1, $0x1  }
.Ltmp4:
0xe3: {  	_ = 	snop;
	(pc) =	sbr.rel @!p1 .LBB2_8-.Ltmp4, $4  }
0xe4: {  	_ = 	snop  }
0xe5: {  	v5 =	vimm.s32 $0x0  }
0xe6: {  	s11 =	simm.s32 $0x0;
	vm0 =	vlt.s32 v5, $0x20  }
0xe7: {  	v6 =	vadd.s32 $0xFFFFFFFF, v4;
	s12 =	simm.s32 $0x1;
	p0 =	por $0x0, $0x0;
	v7 =	vmov s11;
	v9 =	vnsel vm0, $0x20, v5  }
0xe8: {  	_ =	sdelay $0x3  }
0xe9: {  	v8 =	vld.idx.msk [tilespmem:v7+s5+$0x0], $0xffff;
	_ =	sdelay $0x4  }
0xea: {  	v8 =	vand.u32 v2, v8  }
0xeb: {  	vm0 =	vne.s32 v8, $0x0  }
0xec: {  	v8 =	vsel vm0, $0x1, v1  }
0xed: {  	(xrf0) =	vadd.scan.msk.s32 $0xffff, v8;
	_ =	sdelay $0x2  }
0xee: {  	v7 =	vld.idx.msk [tilespmem:v7+s31+$0x0], $0xffff;
	_ =	sdelay $0x2  }
0xef: {  	p1 =	sne.s32 s1, $0x2;
	v9 =	vadd.s32 v9, v6;
	v10, _, _ =	vpop (xrf0)  }
.Ltmp5:
0xf0: {  	v8 =	vmpcnt.ones.xlane vm0;
	v10 =	vadd.s32 v10, v9;
	(pc) =	sbr.rel @!p1 .LBB2_10-.Ltmp5, $4  }
0xf1: {  	v11 =	vshll.u32 v7, $0x4;
	v7 =	vmov s12  }
0xf2: {  	v5 =	vadd.s32 v5, v8  }
0xf3: {  	vm1 =	vlt.s32 v5, $0x20  }
0xf4: {  	s11 =	simm.s32 $0x2;
	p0 =	por $0x1, $0x1;
	v11 =	vor.u32 v0, v11;
	v8 =	vnsel vm1, $0x20, v5  }
.LBB2_11:
0xf5: {  	[tilespmem:v10+s6+$0x0] =	vst.idx.msk vm0, v11;
	s12 =	smov.u32 s11;
	s11 =	sadd.s32 $0x1, s11  }
0xf6: {  	p1 =	sne.s32 s1, s11;
	v9 =	vld.idx.msk [tilespmem:v7+s5+$0x0], $0xffff;
	_ =	sdelay $0x5  }
0xf7: {  	v9 =	vand.u32 v2, v9  }
0xf8: {  	vm0 =	vne.s32 v9, $0x0  }
0xf9: {  	v9 =	vsel vm0, $0x1, v1;
	v10 =	vmpcnt.ones.xlane vm0  }
0xfa: {  	(xrf0) =	vadd.scan.msk.s32 $0xffff, v9  }
0xfb: {  	v5 =	vadd.s32 v5, v10  }
0xfc: {  	vm1 =	vlt.s32 v5, $0x20  }
0xfd: {  	v9 =	vnsel vm1, $0x20, v5  }
0xfe: {  	v11 =	vld.idx.msk [tilespmem:v7+s31+$0x0], $0xffff;
	_ =	sdelay $0x1  }
0xff: {  	v7 =	vadd.s32 v8, v6;
	v8 =	vmov v9;
	v10, _, _ =	vpop (xrf0)  }
.Ltmp6:
0x100: {  	v10 =	vadd.s32 v10, v7;
	(pc) =	sbr.rel @p1 .LBB2_11-.Ltmp6, $3  }
0x101: {  	v7 =	vmov s12;
	_ =	sdelay $0x1  }
0x102: {  	v9 =	vshll.u32 v11, $0x4  }
0x103: {  	v11 =	vor.u32 v0, v9  }
0x104: {  	v9 =	vmov v8  }
.LBB2_13:
0x105: {  	_ =	sdelay $0x4  }
0x106: {  	[tilespmem:v10+s6+$0x0] =	vst.idx.msk @p0 vm0, v11  }
0x107: {  	v8 =	vld.idx.msk [tilespmem:v7+s5+$0x0], $0xffff;
	_ =	sdelay $0x4  }
0x108: {  	v8 =	vand.u32 v2, v8  }
0x109: {  	vm15 =	vne.s32 v8, $0x0  }
0x10a: {  	v8 =	vsel vm15, $0x1, v1  }
0x10b: {  	(xrf0) =	vadd.scan.msk.s32 $0xffff, v8;
	_ =	sdelay $0x4  }
0x10c: {  	v7 =	vld.idx.msk [tilespmem:v7+s31+$0x0], $0xffff  }
0x10d: {  	v6 =	vadd.s32 v9, v6;
	v8, _, _ =	vpop (xrf0)  }
0x10e: {  	v6 =	vadd.s32 v8, v6  }
.Ltmp7:
0x10f: {  	_ = 	snop;
	(pc) =	sbr.rel .LBB2_14-.Ltmp7, $4  }
0x110: {  	_ = 	snop  }
0x111: {  	v7 =	vshll.u32 v7, $0x4;
	v63 =	vmpcnt.ones.xlane vm15  }
0x112: {  	v7 =	vor.u32 v0, v7  }
0x113: {  	v5 =	vadd.s32 v5, v63;
	[tilespmem:v6+s6+$0x0] =	vst.idx.msk vm15, v7  }
.LBB2_8:
.Ltmp8:
0x114: {  	(pc) =	sbr.rel .LBB2_13-.Ltmp8, $2  }
0x115: {  	_ =	sdelay $0x2  }
0x116: {  	_ = 	snop  }
.LBB2_10:
.Ltmp9:
0x117: {  	(pc) =	sbr.rel .LBB2_13-.Ltmp9, $2  }
0x118: {  	_ =	sdelay $0x2  }
0x119: {  	v9 =	vmov v8  }
.LBB2_15:
0x11a: {  	p0 =	seq.s32 s2, $0x3  }
0x11b: {  	s11 =	rddreg [dreg:$0xc];
	s1 =	sshll.u32 @!p0 s2, $0xE  }
0x11c: {  	s1 =	sadd.s32 @!p0 s1, s11  }
0x11d: {  	s12 =	simm.s32 @!p0 $0x1A80;
	s11 =	rddreg [dreg:$0x0];
	s1 =	sshrl.u32 @!p0 s1, $0x3  }
.Ltmp10:
0x11e: {  	s1 =	sadd.s32 @!p0 s11, s1;
	s11 =	simm.s32 @!p0 $0x0;
	(pc) =	sbr.rel .LBB2_16-.Ltmp10, $4  }
0x11f: {  	[tilespmem:s12], [sflag:$0x1] =	stream.linear.gather @!p0 [hbm4b:s1+s11], $0x2000, $0x38;
	[tilespmem:$0x1DA80] =	vst v63  }
0x120: {  	_ =	swait.ge [sflag:s9], $0x2000  }
0x121: {  	[sflag:s9] =	ssyncset.done $0x0  }
0x122: {  	s28 =	simm.s32 $0x0;
	[sflag:s9] =	ssyncadd.s32 $0xFFFFE000  }
.LBB2_19:
0x123: {  	v5 =	vimm.s32 $0x0  }
.LBB2_27:
0x124: {  	_ =	sdelay $0x3  }
0x125: {  	v4 =	vld.idx.msk [tilespmem:v4+s6+$0x0], $0xffff  }
0x126: {  	v6 =	vld [tilespmem:s14+$0x180]  }
0x127: {  	v7 =	vld [tilespmem:s14+$0x190];
	s28 =	sadd.s32 $0x1, s28  }
0x128: {  	p1 =	sne.s32 s28, $0x10  }
.Ltmp11:
0x129: {  	_ = 	snop;
	(pc) =	sbr.rel @!p1 .LBB2_28-.Ltmp11, $4  }
0x12a: {  	vm0 =	vgt.s32 v5, v0  }
0x12b: {  	vm15 =	vgt.s32 v5, v3;
	v6 =	vsel vm0, v6, v4  }
0x12c: {  	v4 =	vsel vm15, v7, v4;
	[tilespmem:s14+$0x180] =	vst v6  }
0x12d: {  	[tilespmem:s14+$0x190] =	vst v4  }
.LBB2_16:
0x12e: {  	s1 =	sshll.u32 s28, $0x9  }
0x12f: {  	s11 =	sadd.s32 s7, s28;
	s14 =	simm.s32 $0x0;
	s12 =	sand.u32 $0x3FFFFE00, s1  }
0x130: {  	s1 =	smul.u32 $0x30, s11;
	s19 =	sand.u32 $0x180, s14;
	s15 =	sadd.s32 $0x3A80, s12  }
0x131: {  	v4 =	vimm.s32 $0x0;
	s20 =	sand.u32 $0x40, s14;
	s11 =	sadd.s32 s19, s15  }
0x132: {  	[tilespmem:s1+$0x480] =	vst v4;
	s12 =	sadd.s32 s20, s11  }
0x133: {  	v5 =	vld [tilespmem:s12+$0x0];
	_ =	sdelay $0x4  }
0x134: {  	vm0 =	vne.s32 v5, $0x0  }
0x135: {  	v6 =	vsel vm0, $0x1, v1  }
0x136: {  	(xrf0) =	vadd.scan.msk.s32 $0xffff, v6;
	_ =	sdelay $0x4  }
0x137: {  	vm1 =	vlt.s32 v4, $0x20  }
0x138: {  	v6 =	vnsel vm1, $0x20, v4;
	v7, _, _ =	vpop (xrf0)  }
0x139: {  	v6 =	vadd.s32 v7, v6  }
0x13a: {  	v6 =	vadd.s32 $0xFFFFFFFF, v6;
	_ =	sdelay $0x3  }
0x13b: {  	s21 =	simm.s32 $0x10;
	v8 =	vor.u32 s14, v0  }
0x13c: {  	s24 =	sand.u32 $0x50, s21;
	[tilespmem:v6+s31+$0x0] =	vst.idx.msk vm0, v8  }
0x13d: {  	s14 =	sadd.s32 s24, s11;
	[tilespmem:v6+s5+$0x0] =	vst.idx.msk vm0, v5  }
0x13e: {  	v5 =	vld [tilespmem:s14+$0x0];
	_ =	sdelay $0x4  }
0x13f: {  	vm1 =	vne.s32 v5, $0x0  }
0x140: {  	v6 =	vsel vm1, $0x1, v1  }
0x141: {  	(xrf0) =	vadd.scan.msk.s32 $0xffff, v6;
	_ =	sdelay $0x1  }
0x142: {  	v6 =	vmpcnt.ones.xlane vm0;
	_ =	sdelay $0x1  }
0x143: {  	v4 =	vadd.s32 v4, v6  }
0x144: {  	vm0 =	vlt.s32 v4, $0x20  }
0x145: {  	v6 =	vnsel vm0, $0x20, v4;
	v8, _, _ =	vpop (xrf0)  }
0x146: {  	v6 =	vadd.s32 v8, v6  }
0x147: {  	v6 =	vadd.s32 $0xFFFFFFFF, v6;
	_ =	sdelay $0x3  }
0x148: {  	s16 =	simm.s32 $0x20;
	v9 =	vor.u32 s21, v0  }
0x149: {  	s17 =	sand.u32 $0x60, s16;
	[tilespmem:v6+s31+$0x0] =	vst.idx.msk vm1, v9  }
0x14a: {  	s14 =	sadd.s32 s17, s11;
	[tilespmem:v6+s5+$0x0] =	vst.idx.msk vm1, v5  }
0x14b: {  	v5 =	vld [tilespmem:s14+$0x0];
	_ =	sdelay $0x4  }
0x14c: {  	vm0 =	vne.s32 v5, $0x0  }
0x14d: {  	v6 =	vsel vm0, $0x1, v1  }
0x14e: {  	(xrf0) =	vadd.scan.msk.s32 $0xffff, v6;
	_ =	sdelay $0x1  }
0x14f: {  	v6 =	vmpcnt.ones.xlane vm1;
	_ =	sdelay $0x1  }
0x150: {  	v4 =	vadd.s32 v4, v6  }
0x151: {  	vm1 =	vlt.s32 v4, $0x20  }
0x152: {  	v6 =	vnsel vm1, $0x20, v4;
	v63, _, _ =	vpop (xrf0)  }
0x153: {  	v6 =	vadd.s32 v63, v6  }
0x154: {  	v6 =	vadd.s32 $0xFFFFFFFF, v6;
	_ =	sdelay $0x3  }
0x155: {  	s18 =	simm.s32 $0x30;
	v10 =	vor.u32 s16, v0  }
0x156: {  	s19 =	sand.u32 $0x70, s18;
	[tilespmem:v6+s31+$0x0] =	vst.idx.msk vm0, v10  }
0x157: {  	s11 =	sadd.s32 s19, s11;
	[tilespmem:v6+s5+$0x0] =	vst.idx.msk vm0, v5  }
0x158: {  	v5 =	vld [tilespmem:s11+$0x0];
	_ =	sdelay $0x4  }
0x159: {  	vm1 =	vne.s32 v5, $0x0  }
0x15a: {  	v6 =	vsel vm1, $0x1, v1  }
0x15b: {  	(xrf0) =	vadd.scan.msk.s32 $0xffff, v6;
	_ =	sdelay $0x1  }
0x15c: {  	v6 =	vmpcnt.ones.xlane vm0;
	_ =	sdelay $0x1  }
0x15d: {  	(v2sf) =	vpush v7, $0xF;
	v4 =	vadd.s32 v4, v6  }
0x15e: {  	(v2sf) =	vpush v8, $0xF;
	vm0 =	vlt.s32 v4, $0x20  }
0x15f: {  	(v2sf) =	vpush v63, $0xF;
	v6 =	vnsel vm0, $0x20, v4;
	v7, _, _ =	vpop (xrf0)  }
0x160: {  	v6 =	vadd.s32 v7, v6;
	(v2sf) =	vpush v7, $0xF  }
0x161: {  	v6 =	vadd.s32 $0xFFFFFFFF, v6;
	_ =	sdelay $0x2  }
0x162: {  	s19 =	simm.s32 $0x40  }
0x163: {  	s20 =	sand.u32 $0x180, s19;
	v7 =	vor.u32 s18, v0  }
0x164: {  	s21 =	sand.u32 $0x40, s19;
	s12 =	sadd.s32 s20, s15;
	[tilespmem:v6+s31+$0x0] =	vst.idx.msk vm1, v7  }
0x165: {  	s11 =	sadd.s32 s21, s12;
	[tilespmem:v6+s5+$0x0] =	vst.idx.msk vm1, v5  }
0x166: {  	v6 =	vld [tilespmem:s11+$0x0];
	_ =	sdelay $0x3  }
0x167: {  	s24 =	spop (v2sf);
	s14 =	sadd.s32 $0x300, s1;
	v5 =	vmpcnt.ones.xlane vm1  }
0x168: {  	s1 =	simm.s32 $0x70;
	s16 =	spop (v2sf);
	s18 =	sadd.s32 $0x0, s24;
	vm1 =	vne.s32 v6, $0x0  }
0x169: {  	s17 =	spop (v2sf);
	s24 =	simm.s32 $0x70;
	s16 =	sadd.s32 s16, s18;
	v4 =	vadd.s32 v4, v5;
	v7 =	vsel vm1, $0x1, v1  }
0x16a: {  	s16 =	sadd.s32 s17, s16;
	s11 =	simm.s32 $0x4;
	vm0 =	vlt.s32 v4, $0x20;
	v5 =	vmpcnt.ones.xlane vm1;
	(xrf0) =	vadd.scan.msk.s32 $0xffff, v7;
	s17 =	spop (v2sf)  }
.LBB2_17:
0x16b: {  	s11 =	sadd.s32 $0x4, s11;
	s16 =	sadd.s32 s17, s16  }
0x16c: {  	p1 =	slt.u32 s11, $0x1C;
	_ =	sdelay $0x3  }
0x16d: {  	v7 =	vnsel vm0, $0x20, v4;
	v8, _, _ =	vpop (xrf0)  }
0x16e: {  	v7 =	vadd.s32 v8, v7;
	(v2sf) =	vpush v8, $0xF  }
0x16f: {  	v7 =	vadd.s32 $0xFFFFFFFF, v7;
	_ =	sdelay $0x3  }
0x170: {  	s18 =	sadd.s32 $0xFFFFFFE0, s1;
	v8 =	vor.u32 s19, v0  }
0x171: {  	s17 =	sand.u32 $0x50, s18;
	[tilespmem:v7+s31+$0x0] =	vst.idx.msk vm1, v8  }
0x172: {  	s17 =	sadd.s32 s17, s12;
	[tilespmem:v7+s5+$0x0] =	vst.idx.msk vm1, v6  }
0x173: {  	v6 =	vld [tilespmem:s17+$0x0];
	_ =	sdelay $0x4  }
0x174: {  	vm0 =	vne.s32 v6, $0x0  }
0x175: {  	v7 =	vsel vm0, $0x1, v1;
	v8 =	vmpcnt.ones.xlane vm0  }
0x176: {  	s17 =	spop (v2sf);
	(xrf0) =	vadd.scan.msk.s32 $0xffff, v7;
	_ =	sdelay $0x3  }
0x177: {  	v4 =	vadd.s32 v4, v5  }
0x178: {  	vm1 =	vlt.s32 v4, $0x20;
	v5 =	vadd.s32 v4, v8  }
0x179: {  	v4 =	vnsel vm1, $0x20, v4;
	vm1 =	vlt.s32 v5, $0x20;
	v7, _, _ =	vpop (xrf0)  }
0x17a: {  	v8 =	vnsel vm1, $0x20, v5;
	v4 =	vadd.s32 v7, v4;
	(v2sf) =	vpush v7, $0xF  }
0x17b: {  	v4 =	vadd.s32 $0xFFFFFFFF, v4;
	_ =	sdelay $0x3  }
0x17c: {  	s19 =	sadd.s32 $0xFFFFFFF0, s1;
	v7 =	vor.u32 s18, v0  }
0x17d: {  	s18 =	sand.u32 $0x60, s19;
	[tilespmem:v4+s31+$0x0] =	vst.idx.msk vm0, v7  }
0x17e: {  	s18 =	sadd.s32 s18, s12;
	[tilespmem:v4+s5+$0x0] =	vst.idx.msk vm0, v6  }
0x17f: {  	v4 =	vld [tilespmem:s18+$0x0];
	_ =	sdelay $0x4  }
0x180: {  	vm0 =	vne.s32 v4, $0x0  }
0x181: {  	v6 =	vsel vm0, $0x1, v1;
	v7 =	vmpcnt.ones.xlane vm0  }
0x182: {  	s18 =	spop (v2sf);
	(xrf0) =	vadd.scan.msk.s32 $0xffff, v6  }
0x183: {  	v5 =	vadd.s32 v5, v7  }
0x184: {  	vm1 =	vlt.s32 v5, $0x20  }
0x185: {  	v6 =	vnsel vm1, $0x20, v5;
	_ =	sdelay $0x2  }
0x186: {  	v7, _, _ =	vpop (xrf0)  }
0x187: {  	v8 =	vadd.s32 v7, v8;
	(v2sf) =	vpush v7, $0xF  }
0x188: {  	v7 =	vadd.s32 $0xFFFFFFFF, v8;
	_ =	sdelay $0x3  }
0x189: {  	v8 =	vor.u32 s19, v0  }
0x18a: {  	s19 =	sand.u32 $0x70, s1;
	[tilespmem:v7+s31+$0x0] =	vst.idx.msk vm0, v8  }
0x18b: {  	s12 =	sadd.s32 s19, s12;
	[tilespmem:v7+s5+$0x0] =	vst.idx.msk vm0, v4  }
0x18c: {  	v7 =	vld [tilespmem:s12+$0x0];
	_ =	sdelay $0x4  }
0x18d: {  	vm1 =	vne.s32 v7, $0x0  }
0x18e: {  	v4 =	vsel vm1, $0x1, v1;
	v8 =	vmpcnt.ones.xlane vm1  }
0x18f: {  	s20 =	spop (v2sf);
	(xrf0) =	vadd.scan.msk.s32 $0xffff, v4  }
0x190: {  	v4 =	vadd.s32 v5, v8  }
0x191: {  	vm0 =	vlt.s32 v4, $0x20;
	_ =	sdelay $0x3  }
0x192: {  	v5, _, _ =	vpop (xrf0)  }
0x193: {  	v6 =	vadd.s32 v5, v6;
	(v2sf) =	vpush v5, $0xF  }
0x194: {  	v5 =	vadd.s32 $0xFFFFFFFF, v6;
	_ =	sdelay $0x1  }
0x195: {  	s1 =	sadd.s32 $0x40, s1  }
0x196: {  	s19 =	sadd.s32 $0xFFFFFFD0, s1  }
0x197: {  	s12 =	sand.u32 $0x180, s19;
	v6 =	vor.u32 s24, v0;
	s24 =	smov.u32 s1  }
0x198: {  	s21 =	sand.u32 $0x40, s19;
	s12 =	sadd.s32 s12, s15;
	[tilespmem:v5+s31+$0x0] =	vst.idx.msk vm1, v6  }
0x199: {  	s21 =	sadd.s32 s21, s12;
	[tilespmem:v5+s5+$0x0] =	vst.idx.msk vm1, v7  }
0x19a: {  	v6 =	vld [tilespmem:s21+$0x0];
	_ =	sdelay $0x2  }
.Ltmp12:
0x19b: {  	(pc) =	sbr.rel @p1 .LBB2_17-.Ltmp12, $4  }
0x19c: {  	_ = 	snop  }
0x19d: {  	s16 =	sadd.s32 s16, s17;
	vm1 =	vne.s32 v6, $0x0  }
0x19e: {  	s16 =	sadd.s32 s18, s16;
	v7 =	vsel vm1, $0x1, v1;
	v5 =	vmpcnt.ones.xlane vm1  }
0x19f: {  	s16 =	sadd.s32 s20, s16;
	(xrf0) =	vadd.scan.msk.s32 $0xffff, v7;
	s17 =	spop (v2sf)  }
0x1a0: {  	_ =	sdelay $0x4  }
0x1a1: {  	v7 =	vnsel vm0, $0x20, v4;
	v8, _, _ =	vpop (xrf0)  }
0x1a2: {  	v7 =	vadd.s32 v8, v7  }
0x1a3: {  	v7 =	vadd.s32 $0xFFFFFFFF, v7;
	_ =	sdelay $0x3  }
0x1a4: {  	v9 =	vor.u32 s19, v0;
	s11 =	sadd.s32 $0xFFFFFFE0, s1  }
0x1a5: {  	s15 =	sand.u32 $0x50, s11;
	[tilespmem:v7+s31+$0x0] =	vst.idx.msk vm1, v9  }
0x1a6: {  	s15 =	sadd.s32 s15, s12;
	[tilespmem:v7+s5+$0x0] =	vst.idx.msk vm1, v6  }
0x1a7: {  	v6 =	vld [tilespmem:s15+$0x0];
	_ =	sdelay $0x4  }
0x1a8: {  	vm10 =	vne.s32 v6, $0x0  }
0x1a9: {  	v7 =	vsel vm10, $0x1, v1  }
0x1aa: {  	(xrf0) =	vadd.scan.msk.s32 $0xffff, v7;
	_ =	sdelay $0x3  }
0x1ab: {  	v4 =	vadd.s32 v4, v5  }
0x1ac: {  	vm11 =	vlt.s32 v4, $0x20  }
0x1ad: {  	v5 =	vnsel vm11, $0x20, v4;
	v7, _, _ =	vpop (xrf0)  }
0x1ae: {  	v5 =	vadd.s32 v7, v5  }
0x1af: {  	v5 =	vadd.s32 $0xFFFFFFFF, v5;
	_ =	sdelay $0x3  }
0x1b0: {  	s20 =	sadd.s32 $0xFFFFFFF0, s1;
	v62 =	vor.u32 s11, v0  }
0x1b1: {  	s21 =	sand.u32 $0x60, s20;
	[tilespmem:v5+s31+$0x0] =	vst.idx.msk vm10, v62  }
0x1b2: {  	s15 =	sadd.s32 s21, s12;
	[tilespmem:v5+s5+$0x0] =	vst.idx.msk vm10, v6  }
0x1b3: {  	v5 =	vld [tilespmem:s15+$0x0];
	_ =	sdelay $0x4  }
0x1b4: {  	vm12 =	vne.s32 v5, $0x0  }
0x1b5: {  	v6 =	vsel vm12, $0x1, v1  }
0x1b6: {  	(xrf0) =	vadd.scan.msk.s32 $0xffff, v6;
	_ =	sdelay $0x1  }
0x1b7: {  	v6 =	vmpcnt.ones.xlane vm10;
	_ =	sdelay $0x1  }
0x1b8: {  	v4 =	vadd.s32 v4, v6  }
0x1b9: {  	vm13 =	vlt.s32 v4, $0x20  }
0x1ba: {  	v6 =	vnsel vm13, $0x20, v4;
	v63, _, _ =	vpop (xrf0)  }
0x1bb: {  	v6 =	vadd.s32 v63, v6  }
0x1bc: {  	v6 =	vadd.s32 $0xFFFFFFFF, v6;
	_ =	sdelay $0x3  }
0x1bd: {  	v10 =	vor.u32 s20, v0  }
0x1be: {  	s11 =	sand.u32 $0x70, s1;
	[tilespmem:v6+s31+$0x0] =	vst.idx.msk vm12, v10  }
0x1bf: {  	s1 =	sadd.s32 s11, s12;
	[tilespmem:v6+s5+$0x0] =	vst.idx.msk vm12, v5  }
0x1c0: {  	v5 =	vld [tilespmem:s1+$0x0];
	_ =	sdelay $0x4  }
0x1c1: {  	vm14 =	vne.s32 v5, $0x0  }
0x1c2: {  	v6 =	vsel vm14, $0x1, v1  }
0x1c3: {  	(xrf0) =	vadd.scan.msk.s32 $0xffff, v6;
	_ =	sdelay $0x3  }
0x1c4: {  	(v2sf) =	vpush v8, $0xF  }
0x1c5: {  	(v2sf) =	vpush v7, $0xF  }
0x1c6: {  	(v2sf) =	vpush v63, $0xF;
	v6, _, _ =	vpop (xrf0)  }
0x1c7: {  	(v2sf) =	vpush v6, $0xF;
	_ =	sdelay $0x9  }
0x1c8: {  	v7 =	vmpcnt.ones.xlane vm12;
	_ =	sdelay $0x1  }
0x1c9: {  	s18 =	sadd.s32 s17, s16;
	s15 =	spop (v2sf);
	v4 =	vadd.s32 v4, v7  }
0x1ca: {  	s19 =	spop (v2sf);
	vm15 =	vlt.s32 v4, $0x20;
	s1 =	sadd.s32 s18, s15  }
0x1cb: {  	v4 =	vnsel vm15, $0x20, v4;
	s1 =	sadd.s32 s19, s1;
	s20 =	spop (v2sf)  }
0x1cc: {  	s1 =	sadd.s32 s20, s1;
	v4 =	vadd.s32 v6, v4;
	s21 =	spop (v2sf)  }
0x1cd: {  	v4 =	vadd.s32 $0xFFFFFFFF, v4;
	s1 =	sadd.s32 s21, s1  }
0x1ce: {  	p1 =	slt.s32 s1, $0x1  }
.Ltmp13:
0x1cf: {  	_ = 	snop;
	(pc) =	sbr.rel @p1 .LBB2_19-.Ltmp13, $4  }
0x1d0: {  	_ = 	snop  }
0x1d1: {  	v6 =	vor.u32 s24, v0  }
0x1d2: {  	[tilespmem:v4+s31+$0x0] =	vst.idx.msk vm14, v6  }
0x1d3: {  	[tilespmem:v4+s5+$0x0] =	vst.idx.msk vm14, v5;
	v4 =	vmov s14  }
0x1d4: {  	s1 =	smin.u32 s1, $0x20  }
0x1d5: {  	p2 =	sne.s32 s1, $0x1  }
.Ltmp14:
0x1d6: {  	_ = 	snop;
	(pc) =	sbr.rel @!p2 .LBB2_21-.Ltmp14, $4  }
0x1d7: {  	_ = 	snop  }
0x1d8: {  	v5 =	vimm.s32 $0x0  }
0x1d9: {  	s11 =	simm.s32 $0x0;
	vm0 =	vlt.s32 v5, $0x20  }
0x1da: {  	v6 =	vadd.s32 $0xFFFFFFFF, v4;
	s12 =	simm.s32 $0x1;
	p1 =	por $0x0, $0x0;
	v7 =	vmov s11;
	v9 =	vnsel vm0, $0x20, v5  }
0x1db: {  	_ =	sdelay $0x3  }
0x1dc: {  	v8 =	vld.idx.msk [tilespmem:v7+s5+$0x0], $0xffff;
	_ =	sdelay $0x4  }
0x1dd: {  	v8 =	vand.u32 v2, v8  }
0x1de: {  	vm0 =	vne.s32 v8, $0x0  }
0x1df: {  	v8 =	vsel vm0, $0x1, v1  }
0x1e0: {  	(xrf0) =	vadd.scan.msk.s32 $0xffff, v8;
	_ =	sdelay $0x2  }
0x1e1: {  	v7 =	vld.idx.msk [tilespmem:v7+s31+$0x0], $0xffff;
	_ =	sdelay $0x2  }
0x1e2: {  	p2 =	sne.s32 s1, $0x2;
	v9 =	vadd.s32 v9, v6;
	v10, _, _ =	vpop (xrf0)  }
.Ltmp15:
0x1e3: {  	v8 =	vmpcnt.ones.xlane vm0;
	v10 =	vadd.s32 v10, v9;
	(pc) =	sbr.rel @!p2 .LBB2_23-.Ltmp15, $4  }
0x1e4: {  	v11 =	vshll.u32 v7, $0x4;
	v7 =	vmov s12  }
0x1e5: {  	v5 =	vadd.s32 v5, v8  }
0x1e6: {  	vm1 =	vlt.s32 v5, $0x20  }
0x1e7: {  	s11 =	simm.s32 $0x2;
	p1 =	por $0x1, $0x1;
	v11 =	vor.u32 v0, v11;
	v8 =	vnsel vm1, $0x20, v5  }
.LBB2_24:
0x1e8: {  	[tilespmem:v10+s6+$0x0] =	vst.idx.msk vm0, v11;
	s12 =	smov.u32 s11;
	s11 =	sadd.s32 $0x1, s11  }
0x1e9: {  	p2 =	sne.s32 s1, s11;
	v9 =	vld.idx.msk [tilespmem:v7+s5+$0x0], $0xffff;
	_ =	sdelay $0x5  }
0x1ea: {  	v9 =	vand.u32 v2, v9  }
0x1eb: {  	vm0 =	vne.s32 v9, $0x0  }
0x1ec: {  	v9 =	vsel vm0, $0x1, v1;
	v10 =	vmpcnt.ones.xlane vm0  }
0x1ed: {  	(xrf0) =	vadd.scan.msk.s32 $0xffff, v9  }
0x1ee: {  	v5 =	vadd.s32 v5, v10  }
0x1ef: {  	vm1 =	vlt.s32 v5, $0x20  }
0x1f0: {  	v9 =	vnsel vm1, $0x20, v5  }
0x1f1: {  	v11 =	vld.idx.msk [tilespmem:v7+s31+$0x0], $0xffff;
	_ =	sdelay $0x1  }
0x1f2: {  	v7 =	vadd.s32 v8, v6;
	v8 =	vmov v9;
	v10, _, _ =	vpop (xrf0)  }
.Ltmp16:
0x1f3: {  	v10 =	vadd.s32 v10, v7;
	(pc) =	sbr.rel @p2 .LBB2_24-.Ltmp16, $3  }
0x1f4: {  	v7 =	vmov s12;
	_ =	sdelay $0x1  }
0x1f5: {  	v9 =	vshll.u32 v11, $0x4  }
0x1f6: {  	v11 =	vor.u32 v0, v9  }
0x1f7: {  	v9 =	vmov v8  }
.LBB2_26:
0x1f8: {  	_ =	sdelay $0x4  }
0x1f9: {  	[tilespmem:v10+s6+$0x0] =	vst.idx.msk @p1 vm0, v11  }
0x1fa: {  	v8 =	vld.idx.msk [tilespmem:v7+s5+$0x0], $0xffff;
	_ =	sdelay $0x4  }
0x1fb: {  	v8 =	vand.u32 v2, v8  }
0x1fc: {  	vm15 =	vne.s32 v8, $0x0  }
0x1fd: {  	v8 =	vsel vm15, $0x1, v1  }
0x1fe: {  	(xrf0) =	vadd.scan.msk.s32 $0xffff, v8;
	_ =	sdelay $0x4  }
0x1ff: {  	v7 =	vld.idx.msk [tilespmem:v7+s31+$0x0], $0xffff  }
0x200: {  	v6 =	vadd.s32 v9, v6;
	v8, _, _ =	vpop (xrf0)  }
0x201: {  	v6 =	vadd.s32 v8, v6  }
.Ltmp17:
0x202: {  	_ = 	snop;
	(pc) =	sbr.rel .LBB2_27-.Ltmp17, $4  }
0x203: {  	_ = 	snop  }
0x204: {  	v7 =	vshll.u32 v7, $0x4;
	v63 =	vmpcnt.ones.xlane vm15  }
0x205: {  	v7 =	vor.u32 v0, v7  }
0x206: {  	v5 =	vadd.s32 v5, v63;
	[tilespmem:v6+s6+$0x0] =	vst.idx.msk vm15, v7  }
.LBB2_21:
.Ltmp18:
0x207: {  	(pc) =	sbr.rel .LBB2_26-.Ltmp18, $2  }
0x208: {  	_ =	sdelay $0x2  }
0x209: {  	_ = 	snop  }
.LBB2_23:
.Ltmp19:
0x20a: {  	(pc) =	sbr.rel .LBB2_26-.Ltmp19, $2  }
0x20b: {  	_ =	sdelay $0x2  }
0x20c: {  	v9 =	vmov v8  }
.LBB2_28:
.Ltmp20:
0x20d: {  	(pc) =	sbr.rel @p0 .LBB2_30-.Ltmp20, $1  }
0x20e: {  	_ =	sdelay $0x3  }
.Ltmp21:
0x20f: {  	s1 =	sshll.u32 s2, $0xE;
	s7 =	rddreg [dreg:$0xd];
	(pc) =	sbr.rel .LBB2_2-.Ltmp21, $4  }
0x210: {  	s1 =	sadd.s32 s1, s7  }
0x211: {  	s24 =	rddreg [dreg:$0x0];
	s1 =	sshrl.u32 s1, $0x3  }
0x212: {  	s28 =	simm.s32 $0x3A80;
	s2 =	sadd.s32 $0x1, s2;
	s1 =	sadd.s32 s24, s1  }
0x213: {  	[tilespmem:s28], [sflag:$0x2] =	stream.linear.gather [hbm4b:s1+s4], $0x2000, $0x38;
	[tilespmem:$0x1DA80] =	vst v63  }
.LBB2_30:
0x214: {  	_ =	swait.ge [sflag:s13], $0x6000  }
0x215: {  	s1 =	simm.s32 $0x2;
	s2 =	simm.s32 $0x0;
	[sflag:s13] =	ssyncset.done $0x0  }
0x216: {  	s7 =	simm.s32 $0x190;
	s11 =	simm.s32 $0x15A80;
	[sflag:s13] =	ssyncadd.s32 $0xFFFFA000  }
.LBB2_31:
0x217: {  	v4 =	vld [tilespmem:s7+$0xFFFFFFF0]  }
0x218: {  	s12 =	sadd.s32 $0xFFFFFFFE, s1  }
0x219: {  	v5 =	vmov s12;
	_ =	sdelay $0x4  }
0x21a: {  	v6 =	vld.idx.msk [tilespmem:v5+s4+$0x0], $0xffff  }
0x21b: {  	v7 =	vld.idx.msk [tilespmem:v4+s29+$0x0], $0xffff;
	_ =	sdelay $0x1  }
0x21c: {  	s24 =	sadd.s32 $0xFFFFFFFF, s1  }
0x21d: {  	v8 =	vmov s24  }
0x21e: {  	v9 =	vadd.s32 $0x2000, v4  }
0x21f: {  	v6 =	vsub.f32 v7, v6;
	_ =	sdelay $0x1  }
0x220: {  	[tilespmem:s11+$0x0] =	vst v6  }
0x221: {  	v6 =	vld.idx.msk [tilespmem:v8+s4+$0x0], $0xffff  }
0x222: {  	v59 =	vld.idx.msk [tilespmem:v9+s29+$0x0], $0xffff;
	_ =	sdelay $0x2  }
0x223: {  	v60 =	vmov s1  }
0x224: {  	v4 =	vadd.s32 $0x4000, v4  }
0x225: {  	v6 =	vsub.f32 v59, v6  }
0x226: {  	s28 =	sand.u32 $0xFE0, s2  }
0x227: {  	[tilespmem:s28+$0x16A80] =	vst v6  }
0x228: {  	v6 =	vld.idx.msk [tilespmem:v60+s4+$0x0], $0xffff  }
0x229: {  	v4 =	vld.idx.msk [tilespmem:v4+s29+$0x0], $0xffff;
	_ =	sdelay $0x4  }
0x22a: {  	v4 =	vsub.f32 v4, v6;
	_ =	sdelay $0x1  }
0x22b: {  	[tilespmem:s28+$0x17A80] =	vst v4  }
0x22c: {  	v4 =	vld [tilespmem:s7+$0x0];
	_ =	sdelay $0x6  }
0x22d: {  	v5 =	vld.idx.msk [tilespmem:v5+s4+$0x0], $0xffff  }
0x22e: {  	v61 =	vld.idx.msk [tilespmem:v4+s29+$0x0], $0xffff;
	_ =	sdelay $0x3  }
0x22f: {  	v62 =	vadd.s32 $0x2000, v4  }
0x230: {  	v5 =	vsub.f32 v61, v5;
	_ =	sdelay $0x1  }
0x231: {  	[tilespmem:s11+$0x10] =	vst v5  }
0x232: {  	v5 =	vld.idx.msk [tilespmem:v8+s4+$0x0], $0xffff  }
0x233: {  	v63 =	vld.idx.msk [tilespmem:v62+s29+$0x0], $0xffff;
	_ =	sdelay $0x3  }
0x234: {  	v4 =	vadd.s32 $0x4000, v4  }
0x235: {  	v5 =	vsub.f32 v63, v5;
	_ =	sdelay $0x1  }
0x236: {  	[tilespmem:s11+$0x1010] =	vst v5  }
0x237: {  	v5 =	vld.idx.msk [tilespmem:v60+s4+$0x0], $0xffff  }
0x238: {  	v4 =	vld.idx.msk [tilespmem:v4+s29+$0x0], $0xffff;
	_ =	sdelay $0x1  }
0x239: {  	p0 =	sne.s32 s1, $0x17F  }
.Ltmp22:
0x23a: {  	_ = 	snop;
	(pc) =	sbr.rel @p0 .LBB2_31-.Ltmp22, $4  }
0x23b: {  	_ = 	snop  }
0x23c: {  	v4 =	vsub.f32 v4, v5  }
0x23d: {  	s2 =	sadd.s32 $0x20, s2  }
0x23e: {  	s1 =	sadd.s32 $0x3, s1;
	s7 =	sadd.s32 $0x30, s7;
	[tilespmem:s11+$0x2010] =	vst v4;
	s11 =	sadd.s32 $0x20, s11  }
0x23f: {  	s2 =	rddreg [dreg:$0xb]  }
0x240: {  	s19 =	rddreg [dreg:$0xf]  }
0x241: {  	s20 =	rddreg [dreg:$0xe]  }
0x242: {  	s21 =	rddreg [dreg:$0x10]  }
0x243: {  	s16 =	rddreg [dreg:$0x11]  }
0x244: {  	s1 =	simm.s32 $0x0;
	s24 =	simm.s32 $0x15A80;
	s17 =	rddreg [dreg:$0x12]  }
0x245: {  	[hbm4b:s2+s1] =	stream.linear.scatter [tilespmem:s24], [sflag:$0x5], $0x1000, $0x38;
	[tilespmem:$0x1DA80] =	vst v63  }
0x246: {  	s28 =	simm.s32 $0x16A80;
	s18 =	rddreg [dreg:$0x13]  }
0x247: {  	[hbm4b:s19+s1] =	stream.linear.scatter [tilespmem:s28], [sflag:$0x5], $0x1000, $0x38;
	[tilespmem:$0x1DA80] =	vst v63  }
0x248: {  	s7 =	simm.s32 $0x17A80;
	s19 =	rddreg [dreg:$0x14]  }
0x249: {  	[hbm4b:s20+s1] =	stream.linear.scatter [tilespmem:s7], [sflag:$0x5], $0x1000, $0x38;
	[tilespmem:$0x1DA80] =	vst v63  }
0x24a: {  	s20 =	rddreg [dreg:$0x15]  }
0x24b: {  	[tilespmem:s29], [sflag:$0x3] =	stream.linear.gather [hbm4b:s21+s1], $0x8000, $0x38;
	[tilespmem:$0x1DA80] =	vst v63  }
0x24c: {  	s21 =	rddreg [dreg:$0x16]  }
.LBB2_33:
0x24d: {  	_ =	swait.ge [sflag:s8], $0x8000  }
0x24e: {  	[sflag:s8] =	ssyncset.done $0x0  }
0x24f: {  	[sflag:s8] =	ssyncadd.s32 $0xFFFF8000  }
0x250: {  	_ =	swait.ge [sflag:s10], $0x1000  }
0x251: {  	[sflag:s10] =	ssyncset.done $0x0  }
0x252: {  	[sflag:s10] =	ssyncadd.s32 $0xFFFFF000  }
0x253: {  	_ =	swait.ge [sflag:s10], $0x1000  }
0x254: {  	[sflag:s10] =	ssyncset.done $0x0  }
0x255: {  	[sflag:s10] =	ssyncadd.s32 $0xFFFFF000  }
0x256: {  	_ =	swait.ge [sflag:s10], $0x1000  }
0x257: {  	p0 =	seq.s32 s1, $0x0;
	[sflag:s10] =	ssyncset.done $0x0  }
0x258: {  	s7 =	simm.s32 @!p0 $0x5;
	[sflag:s10] =	ssyncadd.s32 $0xFFFFF000  }
0x259: {  	_ =	swait.ge @!p0 [sflag:s7], $0x1000  }
0x25a: {  	s2 =	sshll.u32 s1, $0x12;
	s11 =	simm.s32 $0x15A80;
	[sflag:s7] =	ssyncset.done @!p0 $0x0  }
0x25b: {  	s12 =	simm.s32 $0x0;
	[sflag:s7] =	ssyncadd.s32 @!p0 $0xFFFFF000;
	s7 =	simm.s32 $0x190  }
.LBB2_34:
0x25c: {  	v4 =	vld [tilespmem:s7+$0xFFFFFFF0];
	_ =	sdelay $0x7  }
0x25d: {  	v5 =	vld.idx.msk [tilespmem:v4+s30+$0x0], $0xffff  }
0x25e: {  	v6 =	vadd.s32 $0x2000, v4;
	_ =	sdelay $0x3  }
0x25f: {  	[tilespmem:s11+$0x0] =	vst v5  }
0x260: {  	v5 =	vld.idx.msk [tilespmem:v6+s30+$0x0], $0xffff  }
0x261: {  	v61 =	vadd.s32 $0x4000, v4;
	_ =	sdelay $0x2  }
0x262: {  	s14 =	sand.u32 $0xFE0, s12  }
0x263: {  	[tilespmem:s14+$0x16A80] =	vst v5  }
0x264: {  	v5 =	vld.idx.msk [tilespmem:v61+s30+$0x0], $0xffff  }
0x265: {  	v4 =	vadd.s32 $0x6000, v4;
	_ =	sdelay $0x3  }
0x266: {  	[tilespmem:s14+$0x17A80] =	vst v5  }
0x267: {  	v4 =	vld.idx.msk [tilespmem:v4+s30+$0x0], $0xffff;
	_ =	sdelay $0x4  }
0x268: {  	[tilespmem:s14+$0x18A80] =	vst v4  }
0x269: {  	v4 =	vld [tilespmem:s7+$0x0];
	_ =	sdelay $0x7  }
0x26a: {  	v5 =	vld.idx.msk [tilespmem:v4+s30+$0x0], $0xffff  }
0x26b: {  	v62 =	vadd.s32 $0x2000, v4;
	_ =	sdelay $0x3  }
0x26c: {  	[tilespmem:s11+$0x10] =	vst v5  }
0x26d: {  	v5 =	vld.idx.msk [tilespmem:v62+s30+$0x0], $0xffff  }
0x26e: {  	v63 =	vadd.s32 $0x4000, v4;
	_ =	sdelay $0x3  }
0x26f: {  	[tilespmem:s11+$0x1010] =	vst v5  }
0x270: {  	v5 =	vld.idx.msk [tilespmem:v63+s30+$0x0], $0xffff  }
0x271: {  	v4 =	vadd.s32 $0x6000, v4;
	_ =	sdelay $0x3  }
0x272: {  	[tilespmem:s11+$0x2010] =	vst v5  }
0x273: {  	p1 =	sne.s32 s12, $0xFE0;
	v4 =	vld.idx.msk [tilespmem:v4+s30+$0x0], $0xffff  }
.Ltmp23:
0x274: {  	_ = 	snop;
	(pc) =	sbr.rel @p1 .LBB2_34-.Ltmp23, $2  }
0x275: {  	_ =	sdelay $0x2  }
0x276: {  	s12 =	sadd.s32 $0x20, s12;
	s7 =	sadd.s32 $0x30, s7;
	[tilespmem:s11+$0x3010] =	vst v4;
	s11 =	sadd.s32 $0x20, s11  }
0x277: {  	p1 =	seq.s32 s1, $0xF  }
0x278: {  	s15 =	sadd.s32 s2, s16;
	s7 =	sshll.u32 @!p1 s1, $0xD  }
0x279: {  	s12 =	simm.s32 @!p1 $0x0;
	s14 =	simm.s32 @!p1 $0xDA80;
	s11 =	sadd.s32 @!p1 s25, s7  }
0x27a: {  	[tilespmem:s14], [sflag:$0x4] =	stream.linear.gather @!p1 [hbm4b:s11+s12], $0x8000, $0x38;
	[tilespmem:$0x1DA80] =	vst v63  }
0x27b: {  	s11 =	sshrl.u32 s15, $0x3  }
0x27c: {  	s12 =	sadd.s32 s2, s17;
	s11 =	sadd.s32 s3, s11  }
0x27d: {  	[hbm4b:s11+s4] =	stream.linear.scatter [tilespmem:s24], [sflag:$0x5], $0x1000, $0x38;
	[tilespmem:$0x1DA80] =	vst v63  }
0x27e: {  	s11 =	sshrl.u32 s12, $0x3  }
0x27f: {  	s14 =	sadd.s32 s2, s18;
	s11 =	sadd.s32 s3, s11  }
0x280: {  	[hbm4b:s11+s4] =	stream.linear.scatter [tilespmem:s28], [sflag:$0x5], $0x1000, $0x38;
	[tilespmem:$0x1DA80] =	vst v63  }
0x281: {  	s11 =	sshrl.u32 s14, $0x3  }
0x282: {  	s15 =	simm.s32 $0x17A80;
	s14 =	sadd.s32 s2, s19;
	s11 =	sadd.s32 s3, s11  }
0x283: {  	[hbm4b:s11+s4] =	stream.linear.scatter [tilespmem:s15], [sflag:$0x5], $0x1000, $0x38;
	[tilespmem:$0x1DA80] =	vst v63  }
0x284: {  	s11 =	sshrl.u32 s14, $0x3  }
0x285: {  	s15 =	simm.s32 $0x18A80;
	s11 =	sadd.s32 s3, s11  }
0x286: {  	[hbm4b:s11+s4] =	stream.linear.scatter [tilespmem:s15], [sflag:$0x5], $0x1000, $0x38;
	[tilespmem:$0x1DA80] =	vst v63  }
0x287: {  	_ =	swait.ge [sflag:s13], $0x8000  }
0x288: {  	[sflag:s13] =	ssyncset.done $0x0  }
0x289: {  	s11 =	simm.s32 @!p0 $0x6;
	[sflag:s13] =	ssyncadd.s32 $0xFFFF8000  }
0x28a: {  	_ =	swait.ge @!p0 [sflag:s11], $0x1000  }
0x28b: {  	[sflag:s11] =	ssyncset.done @!p0 $0x0  }
0x28c: {  	[sflag:s11] =	ssyncadd.s32 @!p0 $0xFFFFF000  }
0x28d: {  	_ =	swait.ge @!p0 [sflag:s11], $0x1000  }
0x28e: {  	[sflag:s11] =	ssyncset.done @!p0 $0x0  }
0x28f: {  	[sflag:s11] =	ssyncadd.s32 @!p0 $0xFFFFF000  }
0x290: {  	_ =	swait.ge @!p0 [sflag:s11], $0x1000  }
0x291: {  	[sflag:s11] =	ssyncset.done @!p0 $0x0  }
0x292: {  	[sflag:s11] =	ssyncadd.s32 @!p0 $0xFFFFF000  }
0x293: {  	_ =	swait.ge @!p0 [sflag:s11], $0x1000  }
0x294: {  	s12 =	simm.s32 $0x190;
	[sflag:s11] =	ssyncset.done @!p0 $0x0  }
0x295: {  	s14 =	simm.s32 $0x19A80;
	[sflag:s11] =	ssyncadd.s32 @!p0 $0xFFFFF000;
	s11 =	simm.s32 $0x0  }
.LBB2_36:
0x296: {  	v4 =	vld [tilespmem:s12+$0xFFFFFFF0];
	_ =	sdelay $0x7  }
0x297: {  	v5 =	vld.idx.msk [tilespmem:v4+s29+$0x0], $0xffff  }
0x298: {  	v6 =	vadd.s32 $0x2000, v4;
	_ =	sdelay $0x3  }
0x299: {  	[tilespmem:s14+$0x0] =	vst v5  }
0x29a: {  	v5 =	vld.idx.msk [tilespmem:v6+s29+$0x0], $0xffff  }
0x29b: {  	v61 =	vadd.s32 $0x4000, v4;
	_ =	sdelay $0x2  }
0x29c: {  	s15 =	sand.u32 $0xFE0, s11  }
0x29d: {  	[tilespmem:s15+$0x1AA80] =	vst v5  }
0x29e: {  	v5 =	vld.idx.msk [tilespmem:v61+s29+$0x0], $0xffff  }
0x29f: {  	v4 =	vadd.s32 $0x6000, v4;
	_ =	sdelay $0x3  }
0x2a0: {  	[tilespmem:s15+$0x1BA80] =	vst v5  }
0x2a1: {  	v4 =	vld.idx.msk [tilespmem:v4+s29+$0x0], $0xffff;
	_ =	sdelay $0x4  }
0x2a2: {  	[tilespmem:s15+$0x1CA80] =	vst v4  }
0x2a3: {  	v4 =	vld [tilespmem:s12+$0x0];
	_ =	sdelay $0x7  }
0x2a4: {  	v5 =	vld.idx.msk [tilespmem:v4+s29+$0x0], $0xffff  }
0x2a5: {  	v62 =	vadd.s32 $0x2000, v4;
	_ =	sdelay $0x3  }
0x2a6: {  	[tilespmem:s14+$0x10] =	vst v5  }
0x2a7: {  	v5 =	vld.idx.msk [tilespmem:v62+s29+$0x0], $0xffff  }
0x2a8: {  	v63 =	vadd.s32 $0x4000, v4;
	_ =	sdelay $0x3  }
0x2a9: {  	[tilespmem:s14+$0x1010] =	vst v5  }
0x2aa: {  	v5 =	vld.idx.msk [tilespmem:v63+s29+$0x0], $0xffff  }
0x2ab: {  	v4 =	vadd.s32 $0x6000, v4;
	_ =	sdelay $0x3  }
0x2ac: {  	[tilespmem:s14+$0x2010] =	vst v5  }
0x2ad: {  	p0 =	sne.s32 s11, $0xFE0;
	v4 =	vld.idx.msk [tilespmem:v4+s29+$0x0], $0xffff  }
.Ltmp24:
0x2ae: {  	_ = 	snop;
	(pc) =	sbr.rel @p0 .LBB2_36-.Ltmp24, $2  }
0x2af: {  	_ =	sdelay $0x2  }
0x2b0: {  	s11 =	sadd.s32 $0x20, s11;
	s12 =	sadd.s32 $0x30, s12;
	[tilespmem:s14+$0x3010] =	vst v4;
	s14 =	sadd.s32 $0x20, s14  }
0x2b1: {  	s7 =	sadd.s32 @!p1 s26, s7;
	s11 =	simm.s32 @!p1 $0x0;
	s12 =	simm.s32 @!p1 $0x5A80  }
0x2b2: {  	[tilespmem:s12], [sflag:$0x3] =	stream.linear.gather @!p1 [hbm4b:s7+s11], $0x8000, $0x38;
	[tilespmem:$0x1DA80] =	vst v63  }
0x2b3: {  	s11 =	sadd.s32 s2, s20  }
0x2b4: {  	s7 =	sshrl.u32 s11, $0x3  }
0x2b5: {  	s14 =	sadd.s32 s2, s21;
	s12 =	simm.s32 $0x19A80;
	s7 =	sadd.s32 s3, s7  }
0x2b6: {  	[hbm4b:s7+s4] =	stream.linear.scatter [tilespmem:s12], [sflag:$0x6], $0x1000, $0x38;
	[tilespmem:$0x1DA80] =	vst v63  }
0x2b7: {  	s15 =	simm.s32 $0x1AA80;
	s1 =	sadd.s32 $0x1, s1;
	s7 =	sshrl.u32 s14, $0x3  }
0x2b8: {  	p0 =	sne.s32 s1, $0x10;
	s11 =	sadd.s32 s2, s22;
	s7 =	sadd.s32 s3, s7  }
0x2b9: {  	[hbm4b:s7+s4] =	stream.linear.scatter [tilespmem:s15], [sflag:$0x6], $0x1000, $0x38;
	[tilespmem:$0x1DA80] =	vst v63  }
.Ltmp25:
0x2ba: {  	s14 =	sadd.s32 s2, s23;
	s7 =	sshrl.u32 s11, $0x3;
	(pc) =	sbr.rel @p0 .LBB2_33-.Ltmp25, $4  }
0x2bb: {  	s12 =	simm.s32 $0x1BA80;
	s2 =	sshrl.u32 s14, $0x3;
	s7 =	sadd.s32 s3, s7  }
0x2bc: {  	[hbm4b:s7+s4] =	stream.linear.scatter [tilespmem:s12], [sflag:$0x6], $0x1000, $0x38;
	[tilespmem:$0x1DA80] =	vst v63  }
0x2bd: {  	s2 =	sadd.s32 s3, s2;
	s15 =	simm.s32 $0x1CA80  }
0x2be: {  	[hbm4b:s2+s4] =	stream.linear.scatter [tilespmem:s15], [sflag:$0x6], $0x1000, $0x38;
	[tilespmem:$0x1DA80] =	vst v63  }
0x2bf: {  	_ =	swait.ge [sflag:s10], $0x1000  }
0x2c0: {  	[sflag:s10] =	ssyncset.done $0x0  }
0x2c1: {  	s2 =	simm.s32 $0x6;
	[sflag:s10] =	ssyncadd.s32 $0xFFFFF000  }
0x2c2: {  	_ =	swait.ge [sflag:s2], $0x1000  }
0x2c3: {  	[sflag:s2] =	ssyncset.done $0x0  }
0x2c4: {  	[sflag:s2] =	ssyncadd.s32 $0xFFFFF000  }
0x2c5: {  	_ =	swait.ge [sflag:s10], $0x1000  }
0x2c6: {  	[sflag:s10] =	ssyncset.done $0x0  }
0x2c7: {  	[sflag:s10] =	ssyncadd.s32 $0xFFFFF000  }
0x2c8: {  	_ =	swait.ge [sflag:s2], $0x1000  }
0x2c9: {  	[sflag:s2] =	ssyncset.done $0x0  }
0x2ca: {  	[sflag:s2] =	ssyncadd.s32 $0xFFFFF000  }
0x2cb: {  	_ =	swait.ge [sflag:s10], $0x1000  }
0x2cc: {  	[sflag:s10] =	ssyncset.done $0x0  }
0x2cd: {  	[sflag:s10] =	ssyncadd.s32 $0xFFFFF000  }
0x2ce: {  	_ =	swait.ge [sflag:s2], $0x1000  }
0x2cf: {  	[sflag:s2] =	ssyncset.done $0x0  }
0x2d0: {  	[sflag:s2] =	ssyncadd.s32 $0xFFFFF000  }
0x2d1: {  	_ =	swait.ge [sflag:s10], $0x1000  }
0x2d2: {  	[sflag:s10] =	ssyncset.done $0x0  }
0x2d3: {  	[sflag:s10] =	ssyncadd.s32 $0xFFFFF000  }
0x2d4: {  	_ =	swait.ge [sflag:s2], $0x1000  }
0x2d5: {  	s7 =	rddreg [dreg:$0x18]  }
0x2d6: {  	s1 =	rddreg [dreg:$0x17];
	s7 =	sadd.s32 $0x1, s7  }
0x2d7: {  	p0 =	sne.s32 s7, s1  }
.Ltmp26:
0x2d8: {  	_ = 	snop;
	(pc) =	sbr.rel @p0 .LBB2_1-.Ltmp26, $3  }
0x2d9: {  	_ =	sdelay $0x1  }
0x2da: {  	[sflag:s2] =	ssyncset.done $0x0  }
0x2db: {  	[sflag:s2] =	ssyncadd.s32 $0xFFFFF000  }
0x2dc: {  	_ =	sfence.sel $0x180000  }
0x2dd: {  	[bflag:$0x0] =	sbarrier.arrive $0xFFFF  }
0x2de: {  	_ =	strace $0x90000047  }
0x2df: {  	s0 =	stileid.u32;
	[bflag:$0x2] =	sbarrier.arrive $0xFFFF  }
0x2e0: {  	p0 =	sne.s32 s0, $0x0;
	s0 =	rddreg [dreg:$0x5]  }
0x2e1: {  	s0 =	sadd.s32 @!p0 $0x100000, s0  }
0x2e2: {  	[sflag:s0] =	ssyncadd.tile.s32 @!p0 $0x1;
	_ =	shalt  }
.Lfunc_end2:
_tile_overlayer_lowered:
.L_overlay_start_2:
0x2e3: {  	(tag) =	ssettag $0x2  }
0x2e4: {  	s0 =	rddreg [dreg:$0x0];
	s2 =	stileid.u32  }
0x2e5: {  	s1 =	rddreg [dreg:$0x1];
	p0 =	sne.s32 s2, $0x0  }
0x2e6: {  	s3 =	rddreg [dreg:$0x2];
	[bflag:$0x3] =	sbarrier.arrive $0xFFFF;
	s2 =	simm.s32 @!p0 $0x1C07  }
0x2e7: {  	[timem:s3], [sflag:s2] =	dma.local @!p0 [hbm:s0], s1  }
0x2e8: {  	s0 =	simm.s32 @!p0 $0x7  }
0x2e9: {  	_ =	swait.ge @!p0 [sflag:s0], s1  }
0x2ea: {  	s1 =	ssub.s32 @!p0 $0x0, s1;
	[sflag:s0] =	ssyncset.done @!p0 $0x0  }
0x2eb: {  	[sflag:s0] =	ssyncadd.s32 @!p0 s1  }
0x2ec: {  	[bflag:$0x3] =	sbarrier.arrive $0xFFFF  }
0x2ed: {  	_ =	shalt  }

</sc_bundles>
